<compile_context>
chip_gen: v7x
topology: tpu7x:2x2x1
jax: 0.10.2.dev20260603
libtpu: 0.0.44.dev20260713+nightly
codegen_flags: <defaults>
</compile_context>

<pallas_src>
import functools
import jax
import jax.numpy as jnp
from jax import lax
from jax.experimental import pallas as pl
from jax.experimental.pallas import tpu as pltpu
from jax.experimental.pallas import tpu_sc as plsc

NN = 10000
EE = 320000
DD = 128
HH = 4
CC = 128
DE = 16
QGW = 144
TDW = 32

NB = 10
BN_ROWS = NN // NB

CH = 64
TILES = 16
GCHUNKS = EE // CH
TCHUNKS = -(-GCHUNKS // TILES)
ROWS_PT = NN // TILES


def _proj_body(x_ref, wq_ref, bq_ref, wk_ref, bk_ref, wv_ref, bv_ref,
               wet_ref, be_ref,
               qg_ref, kt_ref, vt_ref):
    xb = x_ref[...]
    inv = 1.0 / (CC ** 0.5)
    qgs = []
    ks = []
    vs = []
    for h in range(HH):
        sl = slice(h * CC, (h + 1) * CC)
        qh = (jnp.dot(xb, wq_ref[:, sl], preferred_element_type=jnp.float32)
              + bq_ref[:, sl]) * inv
        gh = jnp.dot(qh, wet_ref[sl, :], preferred_element_type=jnp.float32)
        qgs.append(jnp.concatenate([qh, gh], axis=1)[None])
        kh = (jnp.dot(xb, wk_ref[:, sl], preferred_element_type=jnp.float32)
              + bk_ref[:, sl] + be_ref[:, sl])
        ks.append(kh[None])
        vh = (jnp.dot(xb, wv_ref[:, sl], preferred_element_type=jnp.float32)
              + bv_ref[:, sl] + be_ref[:, sl])
        vs.append(vh[None])
    qg_ref[...] = jnp.concatenate(qgs, axis=0)
    kt_ref[...] = jnp.concatenate(ks, axis=0)
    vt_ref[...] = jnp.concatenate(vs, axis=0)


def _edge_body(qg_hbm, k_hbm, v_hbm, src_hbm, dst_hbm, attr_hbm,
               zr_hbm, zr2_hbm,
               sout_hbm, sout2_hbm,
               sacc, sacc2, sidx, didx, didxh, qgbuf, kbuf, vbuf,
               abuf, rowbuf2, semqg, semk, semv):
    c = lax.axis_index("c")
    s = lax.axis_index("s")
    lane0 = lax.iota(jnp.int32, 16) == 0
    z16 = jnp.zeros((16,), jnp.float32)

    for r in range(2):
        h = 2 * c + r
        hn = h * NN

        pltpu.sync_copy(zr_hbm, sacc.at[pl.ds(s * ROWS_PT, ROWS_PT)])
        pltpu.sync_copy(zr2_hbm, sacc2.at[pl.ds(s * ROWS_PT, ROWS_PT)])
        plsc.subcore_barrier()

        def _chunk(t, carry):
            g = t * TILES + s

            @pl.when(g < GCHUNKS)
            def _():
                base = g * CH
                pltpu.sync_copy(src_hbm.at[pl.ds(base, CH)], sidx)
                pltpu.sync_copy(dst_hbm.at[pl.ds(base, CH)], didx)
                for j in range(CH // 16):
                    dj = pl.ds(j * 16, 16)
                    sidx[dj] = sidx[dj] + hn
                    didxh[dj] = didx[dj] + hn
                cp1 = pltpu.async_copy(qg_hbm.at[didxh], qgbuf, semqg)
                cp2 = pltpu.async_copy(k_hbm.at[sidx], kbuf, semk)
                cp3 = pltpu.async_copy(v_hbm.at[sidx], vbuf, semv)
                pltpu.sync_copy(attr_hbm.at[pl.ds(base, CH)], abuf)
                cp1.wait()
                cp2.wait()
                cp3.wait()

                def _edge(e, carry2):
                    acc = qgbuf[e, pl.ds(0, 16)] * kbuf[e, pl.ds(0, 16)]
                    for j in range(1, CC // 16):
                        acc = acc + (qgbuf[e, pl.ds(j * 16, 16)]
                                     * kbuf[e, pl.ds(j * 16, 16)])
                    av = abuf[e, pl.ds(0, 16)]
                    acc = acc + qgbuf[e, pl.ds(CC, 16)] * av
                    tot = jnp.sum(acc)
                    wv = jnp.exp(lax.broadcast(tot, (16,)))
                    for j in range(CC // 16):
                        dj = pl.ds(j * 16, 16)
                        vbuf[e, dj] = wv * vbuf[e, dj]
                    rowbuf2[e, pl.ds(0, 16)] = wv * av
                    rowbuf2[e, pl.ds(DE, 16)] = jnp.where(lane0, wv, z16)
                    return carry2
                lax.fori_loop(0, CH, _edge, 0)

                pltpu.sync_copy(vbuf, sacc.at[didx], add=True)
                pltpu.sync_copy(rowbuf2, sacc2.at[didx], add=True)
            return carry
        lax.fori_loop(0, TCHUNKS, _chunk, 0)
        plsc.subcore_barrier()

        pltpu.sync_copy(sacc.at[pl.ds(s * ROWS_PT, ROWS_PT)],
                        sout_hbm.at[pl.ds(hn + s * ROWS_PT, ROWS_PT)])
        pltpu.sync_copy(sacc2.at[pl.ds(s * ROWS_PT, ROWS_PT)],
                        sout2_hbm.at[pl.ds(hn + s * ROWS_PT, ROWS_PT)])
        plsc.subcore_barrier()


def _post_a_body(s2_ref, t2_ref, d2_ref, we_ref, x_ref, wskip_ref, bskip_ref,
                 y_ref, stats_ref):
    i = pl.program_id(0)
    acc = jnp.zeros((BN_ROWS, CC), jnp.float32)
    for h in range(HH):
        sh = s2_ref[h]
        th = t2_ref[h]
        dh = d2_ref[h]
        corr = jnp.dot(th, we_ref[:, h * CC:(h + 1) * CC],
                       preferred_element_type=jnp.float32)
        acc = acc + (sh + corr) / (dh + 1e-16)
    y = acc * (1.0 / HH) + jnp.dot(x_ref[...], wskip_ref[...],
                                   preferred_element_type=jnp.float32) \
        + bskip_ref[...]
    y_ref[...] = y

    @pl.when(i == 0)
    def _():
        stats_ref[...] = jnp.zeros((8, CC), jnp.float32)

    stats_ref[0:1, :] += jnp.sum(y, axis=0, keepdims=True)
    stats_ref[1:2, :] += jnp.sum(y * y, axis=0, keepdims=True)


def _post_b_body(y_ref, stats_ref, gamma_ref, beta_ref, out_ref):
    mean = stats_ref[0:1, :] * (1.0 / NN)
    var = stats_ref[1:2, :] * (1.0 / NN) - mean * mean
    scale = lax.rsqrt(var + 1e-5) * gamma_ref[...]
    out_ref[...] = (y_ref[...] - mean) * scale + beta_ref[...]


def kernel(x, edge_index, edge_attr, Wq, bq, Wk, bk, Wv, bv, We, be,
           Wskip, bskip, gamma, beta):
    f32 = jnp.float32
    wet = We.T
    bq2 = bq.reshape(1, HH * CC)
    bk2 = bk.reshape(1, HH * CC)
    bv2 = bv.reshape(1, HH * CC)
    be2 = be.reshape(1, HH * CC)
    bskip2 = bskip.reshape(1, CC)
    gamma2 = gamma.reshape(1, CC)
    beta2 = beta.reshape(1, CC)

    full = lambda shape: pl.BlockSpec(shape, lambda i: tuple(0 for _ in shape))
    rowblk = lambda w: pl.BlockSpec((BN_ROWS, w), lambda i: (i, 0))
    headblk = lambda w: pl.BlockSpec((HH, BN_ROWS, w), lambda i: (0, i, 0))

    qg, kt, vt = pl.pallas_call(
        _proj_body,
        grid=(NB,),
        in_specs=[rowblk(DD), full((DD, HH * CC)), full((1, HH * CC)),
                  full((DD, HH * CC)), full((1, HH * CC)),
                  full((DD, HH * CC)), full((1, HH * CC)),
                  full((HH * CC, DE)), full((1, HH * CC))],
        out_specs=[headblk(QGW), headblk(CC), headblk(CC)],
        out_shape=[jax.ShapeDtypeStruct((HH, NN, QGW), f32),
                   jax.ShapeDtypeStruct((HH, NN, CC), f32),
                   jax.ShapeDtypeStruct((HH, NN, CC), f32)],
    )(x, Wq, bq2, Wk, bk2, Wv, bv2, wet, be2)

    qg = qg.reshape(HH * NN, QGW)
    kt = kt.reshape(HH * NN, CC)
    vt = vt.reshape(HH * NN, CC)
    src = edge_index[0]
    dst = edge_index[1]

    edge_fn = functools.partial(
        pl.kernel,
        out_type=[jax.ShapeDtypeStruct((HH * NN, CC), f32),
                  jax.ShapeDtypeStruct((HH * NN, TDW), f32)],
        mesh=plsc.VectorSubcoreMesh(core_axis_name="c", subcore_axis_name="s"),
        compiler_params=pltpu.CompilerParams(use_tc_tiling_on_sc=False,
                                             needs_layout_passes=False),
        scratch_types=[
            pltpu.VMEM_SHARED((NN, CC), f32),
            pltpu.VMEM_SHARED((NN, TDW), f32),
            pltpu.VMEM((CH,), jnp.int32),
            pltpu.VMEM((CH,), jnp.int32),
            pltpu.VMEM((CH,), jnp.int32),
            pltpu.VMEM((CH, QGW), f32),
            pltpu.VMEM((CH, CC), f32),
            pltpu.VMEM((CH, CC), f32),
            pltpu.VMEM((CH, DE), f32),
            pltpu.VMEM((CH, TDW), f32),
            pltpu.SemaphoreType.DMA,
            pltpu.SemaphoreType.DMA,
            pltpu.SemaphoreType.DMA,
        ],
    )(_edge_body)
    zr = jnp.zeros((ROWS_PT, CC), f32)
    zr2 = jnp.zeros((ROWS_PT, TDW), f32)
    sout, sout2 = edge_fn(qg, kt, vt, src, dst, edge_attr, zr, zr2)

    s2 = sout.reshape(HH, NN, CC)
    td = sout2.reshape(HH, NN, TDW)
    t2 = td[:, :, 0:DE]
    d2 = td[:, :, DE:DE + 1]

    y, stats = pl.pallas_call(
        _post_a_body,
        grid=(NB,),
        in_specs=[headblk(CC), headblk(DE), headblk(1),
                  full((DE, HH * CC)), rowblk(DD), full((DD, CC)),
                  full((1, CC))],
        out_specs=[rowblk(CC), full((8, CC))],
        out_shape=[jax.ShapeDtypeStruct((NN, CC), f32),
                   jax.ShapeDtypeStruct((8, CC), f32)],
    )(s2, t2, d2, We, x, Wskip, bskip2)

    out = pl.pallas_call(
        _post_b_body,
        grid=(NB,),
        in_specs=[rowblk(CC), full((8, CC)), full((1, CC)), full((1, CC))],
        out_specs=rowblk(CC),
        out_shape=jax.ShapeDtypeStruct((NN, CC), f32),
    )(y, stats, gamma2, beta2)

    return (out, edge_index, edge_attr)

# --- scband reference (transcript-rebuilt; emitter-appended) ---
"""Pipeline reference for scband-transformer-nn-2327872274908 (READ-ONLY COPY).

The authoritative reference and input builder live on the scoring server;
editing this copy changes nothing except your own understanding.
"""

import jax, jax.numpy as jnp
import numpy as np

N = 10000
E = 320000
D = 128
H = 4
C = 128
DE = 16


def setup_inputs(seed: int = 0) -> dict:
    key = jax.random.key(seed)
    ks = jax.random.split(key, 16)
    s = 0.05
    x = jax.random.normal(ks[0], (N, D), dtype=jnp.float32)
    edge_index = jax.random.randint(ks[1], (2, E), 0, N, dtype=jnp.int32)
    edge_attr = jax.random.normal(ks[2], (E, DE), dtype=jnp.float32)
    Wq = jax.random.normal(ks[3], (D, H * C), dtype=jnp.float32) * s
    bq = jnp.zeros((H * C,), dtype=jnp.float32)
    Wk = jax.random.normal(ks[4], (D, H * C), dtype=jnp.float32) * s
    bk = jnp.zeros((H * C,), dtype=jnp.float32)
    Wv = jax.random.normal(ks[5], (D, H * C), dtype=jnp.float32) * s
    bv = jnp.zeros((H * C,), dtype=jnp.float32)
    We = jax.random.normal(ks[6], (DE, H * C), dtype=jnp.float32) * s
    be = jnp.zeros((H * C,), dtype=jnp.float32)
    Wskip = jax.random.normal(ks[7], (D, C), dtype=jnp.float32) * s
    bskip = jnp.zeros((C,), dtype=jnp.float32)
    gamma = jnp.ones((C,), dtype=jnp.float32)
    beta = jnp.zeros((C,), dtype=jnp.float32)
    return {"x": x, "edge_index": edge_index, "edge_attr": edge_attr,
            "Wq": Wq, "bq": bq, "Wk": Wk, "bk": bk, "Wv": Wv, "bv": bv,
            "We": We, "be": be, "Wskip": Wskip, "bskip": bskip,
            "gamma": gamma, "beta": beta}


def reference(x, edge_index, edge_attr, Wq, bq, Wk, bk, Wv, bv, We, be, Wskip, bskip, gamma, beta):
    # TransformerConv(in=128, out=128, heads=4, edge_dim=16, concat=False, root_weight=True)
    # dropout on attention weights is disabled (eval mode). Followed by BatchNorm (training stats).
    src = edge_index[0]
    dst = edge_index[1]
    q = (x @ Wq + bq).reshape(N, H, C)
    k = (x @ Wk + bk).reshape(N, H, C)
    v = (x @ Wv + bv).reshape(N, H, C)
    e = (edge_attr @ We + be).reshape(E, H, C)
    q_i = q[dst]                      # gather by destination node
    k_j = k[src] + e                  # gather by source node + edge embedding
    v_j = v[src] + e
    alpha = (q_i * k_j).sum(-1) / jnp.sqrt(float(C))   # [E, H]
    amax = jax.ops.segment_max(alpha, dst, num_segments=N)  # [N, H]
    amax = jnp.where(jnp.isfinite(amax), amax, 0.0)
    amax = jax.lax.stop_gradient(amax)
    ea = jnp.exp(alpha - amax[dst])
    denom = jax.ops.segment_sum(ea, dst, num_segments=N)    # [N, H]
    alpha_n = ea / (denom[dst] + 1e-16)
    out = jax.ops.segment_sum(alpha_n[:, :, None] * v_j, dst, num_segments=N)  # [N, H, C]
    out = out.mean(axis=1)            # concat=False -> mean over heads
    out = out + x @ Wskip + bskip     # root_weight skip connection
    mean = out.mean(axis=0)
    var = out.var(axis=0)
    out = (out - mean) / jnp.sqrt(var + 1e-5) * gamma + beta
    return (out, edge_index, edge_attr)

if __name__ == "__main__":
    import jax
    _d = setup_inputs()
    print(jax.jit(kernel)(*tuple(_d.values())))

</pallas_src>

<mosaic_0001>
#map = affine_map<(d0, d1) -> (0, 0)>
#map1 = affine_map<(d0, d1) -> (0)>
module attributes {stable_mosaic.version = 14 : i64} {
  func.func @_edge_body(%arg0: i32, %arg1: i32, %arg2: memref<40000x144xf32, #tpu.memory_space<hbm>>, %arg3: memref<40000x128xf32, #tpu.memory_space<hbm>>, %arg4: memref<40000x128xf32, #tpu.memory_space<hbm>>, %arg5: memref<320000xi32, #tpu.memory_space<hbm>>, %arg6: memref<320000xi32, #tpu.memory_space<hbm>>, %arg7: memref<320000x16xf32, #tpu.memory_space<hbm>>, %arg8: memref<625x128xf32, #tpu.memory_space<hbm>>, %arg9: memref<625x32xf32, #tpu.memory_space<hbm>>, %arg10: memref<40000x128xf32, #tpu.memory_space<hbm>>, %arg11: memref<40000x32xf32, #tpu.memory_space<hbm>>, %arg12: memref<10000x128xf32, #tpu.memory_space<vmem_shared>>, %arg13: memref<10000x32xf32, #tpu.memory_space<vmem_shared>>, %arg14: memref<64xi32, #tpu.memory_space<vmem>>, %arg15: memref<64xi32, #tpu.memory_space<vmem>>, %arg16: memref<64xi32, #tpu.memory_space<vmem>>, %arg17: memref<64x144xf32, #tpu.memory_space<vmem>>, %arg18: memref<64x128xf32, #tpu.memory_space<vmem>>, %arg19: memref<64x128xf32, #tpu.memory_space<vmem>>, %arg20: memref<64x16xf32, #tpu.memory_space<vmem>>, %arg21: memref<64x32xf32, #tpu.memory_space<vmem>>, %arg22: memref<!tpu.dma_semaphore, #tpu.memory_space<semaphore_mem>>, %arg23: memref<!tpu.dma_semaphore, #tpu.memory_space<semaphore_mem>>, %arg24: memref<!tpu.dma_semaphore, #tpu.memory_space<semaphore_mem>>) attributes {dimension_semantics = [#tpu.dimension_semantics<core_parallel>, #tpu.dimension_semantics<subcore_parallel>], iteration_bounds = array<i64: 2, 16>, scalar_prefetch = 0 : i64, scratch_operands = 13 : i64, tpu.core_type = #tpu.core_type<sc_vector_subcore>, window_params = [{transform_indices = #map}, {transform_indices = #map}, {transform_indices = #map}, {transform_indices = #map1}, {transform_indices = #map1}, {transform_indices = #map}, {transform_indices = #map}, {transform_indices = #map}, {transform_indices = #map}, {transform_indices = #map}]} {
    %iota3A = tpu.iota {dimensions = array<i32: 0>} : vector<16xi32>
    %eq3A = arith.constant 0 : i32
    %eq3A_0 = vector.broadcast %eq3A : i32 to vector<16xi32>
    %eq3A_1 = arith.cmpi eq, %iota3A, %eq3A_0 : vector<16xi32>
    %broadcast_in_dim3A = arith.constant 0.000000e+00 : f32
    %broadcast_in_dim3A_2 = vector.broadcast %broadcast_in_dim3A : f32 to vector<16xf32>
    %mul3A = arith.constant 2 : i32
    %mul3A_3 = arith.muli %mul3A, %arg0 : i32
    %add3A = arith.constant 0 : i32
    %add3A_4 = arith.addi %mul3A_3, %add3A : i32
    %mul3A_5 = arith.constant 10000 : i32
    %mul3A_6 = arith.muli %add3A_4, %mul3A_5 : i32
    %mul3A_7 = arith.constant 625 : i32
    %mul3A_8 = arith.muli %arg1, %mul3A_7 : i32
    "tpu.region"() ({
      %run_scoped3A = tpu.sem_alloc : memref<!tpu.dma_semaphore, #tpu.memory_space<semaphore_mem>>
      %dma_start3A = arith.constant 0 : i32
      %dma_start3A_57 = tpu.memref_slice %arg12[%mul3A_8, %dma_start3A] : memref<10000x128xf32, #tpu.memory_space<vmem_shared>> -> memref<625x128xf32, #tpu.memory_space<vmem_shared>>
      tpu.enqueue_dma source(%arg8 : memref<625x128xf32, #tpu.memory_space<hbm>>) target(%dma_start3A_57 : memref<625x128xf32, #tpu.memory_space<vmem_shared>>) target_semaphore(%run_scoped3A : memref<!tpu.dma_semaphore, #tpu.memory_space<semaphore_mem>>)
      %dma_wait3A = arith.constant 0 : i32
      %dma_wait3A_58 = tpu.memref_slice %arg12[%mul3A_8, %dma_wait3A] : memref<10000x128xf32, #tpu.memory_space<vmem_shared>> -> memref<625x128xf32, #tpu.memory_space<vmem_shared>>
      tpu.wait_dma2 semaphore(%run_scoped3A : memref<!tpu.dma_semaphore, #tpu.memory_space<semaphore_mem>>) src(%arg8 : memref<625x128xf32, #tpu.memory_space<hbm>>) dst(%dma_wait3A_58 : memref<625x128xf32, #tpu.memory_space<vmem_shared>>)
      tpu.yield
    }) : () -> ()
    %mul3A_9 = arith.constant 625 : i32
    %mul3A_10 = arith.muli %arg1, %mul3A_9 : i32
    "tpu.region"() ({
      %run_scoped3A = tpu.sem_alloc : memref<!tpu.dma_semaphore, #tpu.memory_space<semaphore_mem>>
      %dma_start3A = arith.constant 0 : i32
      %dma_start3A_57 = tpu.memref_slice %arg13[%mul3A_10, %dma_start3A] : memref<10000x32xf32, #tpu.memory_space<vmem_shared>> -> memref<625x32xf32, #tpu.memory_space<vmem_shared>>
      tpu.enqueue_dma source(%arg9 : memref<625x32xf32, #tpu.memory_space<hbm>>) target(%dma_start3A_57 : memref<625x32xf32, #tpu.memory_space<vmem_shared>>) target_semaphore(%run_scoped3A : memref<!tpu.dma_semaphore, #tpu.memory_space<semaphore_mem>>)
      %dma_wait3A = arith.constant 0 : i32
      %dma_wait3A_58 = tpu.memref_slice %arg13[%mul3A_10, %dma_wait3A] : memref<10000x32xf32, #tpu.memory_space<vmem_shared>> -> memref<625x32xf32, #tpu.memory_space<vmem_shared>>
      tpu.wait_dma2 semaphore(%run_scoped3A : memref<!tpu.dma_semaphore, #tpu.memory_space<semaphore_mem>>) src(%arg9 : memref<625x32xf32, #tpu.memory_space<hbm>>) dst(%dma_wait3A_58 : memref<625x32xf32, #tpu.memory_space<vmem_shared>>)
      tpu.yield
    }) : () -> ()
    %barrier3A = arith.constant 0 : index
    tpu.barrier barrier_id(%barrier3A)
    %scan3A = arith.constant 0 : i32
    %scan3A_11 = arith.constant 0 : i32
    %scan3A_12 = arith.constant 313 : i32
    %scan3A_13 = arith.addi %scan3A_11, %scan3A_12 : i32
    %scan3A_14 = arith.constant 1 : i32
    scf.for %scan3A_57 = %scan3A_11 to %scan3A_13 step %scan3A_14  : i32 {
      %mul3A_58 = arith.constant 16 : i32
      %mul3A_59 = arith.muli %scan3A_57, %mul3A_58 : i32
      %add3A_60 = arith.addi %mul3A_59, %arg1 : i32
      %lt3A = arith.constant 5000 : i32
      %lt3A_61 = arith.cmpi slt, %add3A_60, %lt3A : i32
      %convert_element_type3A = arith.extui %lt3A_61 : i1 to i32
      %cond3A = arith.constant 0 : i32
      %cond3A_62 = arith.cmpi ne, %convert_element_type3A, %cond3A : i32
      scf.if %cond3A_62 {
        %mul3A_63 = arith.constant 64 : i32
        %mul3A_64 = arith.muli %add3A_60, %mul3A_63 : i32
        "tpu.region"() ({
          %run_scoped3A = tpu.sem_alloc : memref<!tpu.dma_semaphore, #tpu.memory_space<semaphore_mem>>
          %dma_start3A_133 = tpu.memref_slice %arg5[%mul3A_64] : memref<320000xi32, #tpu.memory_space<hbm>> -> memref<64xi32, #tpu.memory_space<hbm>>
          %dma_start3A_134 = tpu.memref_slice %arg5[%mul3A_64] : memref<320000xi32, #tpu.memory_space<hbm>> -> memref<64xi32, #tpu.memory_space<hbm>>
          tpu.enqueue_dma source(%dma_start3A_134 : memref<64xi32, #tpu.memory_space<hbm>>) target(%arg14 : memref<64xi32, #tpu.memory_space<vmem>>) target_semaphore(%run_scoped3A : memref<!tpu.dma_semaphore, #tpu.memory_space<semaphore_mem>>)
          %dma_wait3A_135 = tpu.memref_slice %arg5[%mul3A_64] : memref<320000xi32, #tpu.memory_space<hbm>> -> memref<64xi32, #tpu.memory_space<hbm>>
          %dma_wait3A_136 = tpu.memref_slice %arg5[%mul3A_64] : memref<320000xi32, #tpu.memory_space<hbm>> -> memref<64xi32, #tpu.memory_space<hbm>>
          tpu.wait_dma2 semaphore(%run_scoped3A : memref<!tpu.dma_semaphore, #tpu.memory_space<semaphore_mem>>) src(%dma_wait3A_136 : memref<64xi32, #tpu.memory_space<hbm>>) dst(%arg14 : memref<64xi32, #tpu.memory_space<vmem>>)
          tpu.yield
        }) : () -> ()
        "tpu.region"() ({
          %run_scoped3A = tpu.sem_alloc : memref<!tpu.dma_semaphore, #tpu.memory_space<semaphore_mem>>
          %dma_start3A_133 = tpu.memref_slice %arg6[%mul3A_64] : memref<320000xi32, #tpu.memory_space<hbm>> -> memref<64xi32, #tpu.memory_space<hbm>>
          %dma_start3A_134 = tpu.memref_slice %arg6[%mul3A_64] : memref<320000xi32, #tpu.memory_space<hbm>> -> memref<64xi32, #tpu.memory_space<hbm>>
          tpu.enqueue_dma source(%dma_start3A_134 : memref<64xi32, #tpu.memory_space<hbm>>) target(%arg15 : memref<64xi32, #tpu.memory_space<vmem>>) target_semaphore(%run_scoped3A : memref<!tpu.dma_semaphore, #tpu.memory_space<semaphore_mem>>)
          %dma_wait3A_135 = tpu.memref_slice %arg6[%mul3A_64] : memref<320000xi32, #tpu.memory_space<hbm>> -> memref<64xi32, #tpu.memory_space<hbm>>
          %dma_wait3A_136 = tpu.memref_slice %arg6[%mul3A_64] : memref<320000xi32, #tpu.memory_space<hbm>> -> memref<64xi32, #tpu.memory_space<hbm>>
          tpu.wait_dma2 semaphore(%run_scoped3A : memref<!tpu.dma_semaphore, #tpu.memory_space<semaphore_mem>>) src(%dma_wait3A_136 : memref<64xi32, #tpu.memory_space<hbm>>) dst(%arg15 : memref<64xi32, #tpu.memory_space<vmem>>)
          tpu.yield
        }) : () -> ()
        %get3A = arith.constant 0 : index
        %get3A_65 = tpu.vector_load %arg14[%get3A] {strides = array<i32>} : memref<64xi32, #tpu.memory_space<vmem>>, vector<16xi32>,
        %add3A_66 = vector.broadcast %mul3A_6 : i32 to vector<16xi32>
        %add3A_67 = arith.addi %get3A_65, %add3A_66 : vector<16xi32>
        %swap3A = arith.constant 0 : index
        %swap3A_68 = tpu.vector_load %arg14[%swap3A] {strides = array<i32>} : memref<64xi32, #tpu.memory_space<vmem>>, vector<16xi32>,
        tpu.vector_store %arg14[%swap3A], %add3A_67 {strides = array<i32>} : memref<64xi32, #tpu.memory_space<vmem>>, vector<16xi32>,
        %get3A_69 = arith.constant 0 : index
        %get3A_70 = tpu.vector_load %arg15[%get3A_69] {strides = array<i32>} : memref<64xi32, #tpu.memory_space<vmem>>, vector<16xi32>,
        %add3A_71 = vector.broadcast %mul3A_6 : i32 to vector<16xi32>
        %add3A_72 = arith.addi %get3A_70, %add3A_71 : vector<16xi32>
        %swap3A_73 = arith.constant 0 : index
        %swap3A_74 = tpu.vector_load %arg16[%swap3A_73] {strides = array<i32>} : memref<64xi32, #tpu.memory_space<vmem>>, vector<16xi32>,
        tpu.vector_store %arg16[%swap3A_73], %add3A_72 {strides = array<i32>} : memref<64xi32, #tpu.memory_space<vmem>>, vector<16xi32>,
        %get3A_75 = arith.constant 16 : index
        %get3A_76 = tpu.vector_load %arg14[%get3A_75] {strides = array<i32>} : memref<64xi32, #tpu.memory_space<vmem>>, vector<16xi32>,
        %add3A_77 = vector.broadcast %mul3A_6 : i32 to vector<16xi32>
        %add3A_78 = arith.addi %get3A_76, %add3A_77 : vector<16xi32>
        %swap3A_79 = arith.constant 16 : index
        %swap3A_80 = tpu.vector_load %arg14[%swap3A_79] {strides = array<i32>} : memref<64xi32, #tpu.memory_space<vmem>>, vector<16xi32>,
        tpu.vector_store %arg14[%swap3A_79], %add3A_78 {strides = array<i32>} : memref<64xi32, #tpu.memory_space<vmem>>, vector<16xi32>,
        %get3A_81 = arith.constant 16 : index
        %get3A_82 = tpu.vector_load %arg15[%get3A_81] {strides = array<i32>} : memref<64xi32, #tpu.memory_space<vmem>>, vector<16xi32>,
        %add3A_83 = vector.broadcast %mul3A_6 : i32 to vector<16xi32>
        %add3A_84 = arith.addi %get3A_82, %add3A_83 : vector<16xi32>
        %swap3A_85 = arith.constant 16 : index
        %swap3A_86 = tpu.vector_load %arg16[%swap3A_85] {strides = array<i32>} : memref<64xi32, #tpu.memory_space<vmem>>, vector<16xi32>,
        tpu.vector_store %arg16[%swap3A_85], %add3A_84 {strides = array<i32>} : memref<64xi32, #tpu.memory_space<vmem>>, vector<16xi32>,
        %get3A_87 = arith.constant 32 : index
        %get3A_88 = tpu.vector_load %arg14[%get3A_87] {strides = array<i32>} : memref<64xi32, #tpu.memory_space<vmem>>, vector<16xi32>,
        %add3A_89 = vector.broadcast %mul3A_6 : i32 to vector<16xi32>
        %add3A_90 = arith.addi %get3A_88, %add3A_89 : vector<16xi32>
        %swap3A_91 = arith.constant 32 : index
        %swap3A_92 = tpu.vector_load %arg14[%swap3A_91] {strides = array<i32>} : memref<64xi32, #tpu.memory_space<vmem>>, vector<16xi32>,
        tpu.vector_store %arg14[%swap3A_91], %add3A_90 {strides = array<i32>} : memref<64xi32, #tpu.memory_space<vmem>>, vector<16xi32>,
        %get3A_93 = arith.constant 32 : index
        %get3A_94 = tpu.vector_load %arg15[%get3A_93] {strides = array<i32>} : memref<64xi32, #tpu.memory_space<vmem>>, vector<16xi32>,
        %add3A_95 = vector.broadcast %mul3A_6 : i32 to vector<16xi32>
        %add3A_96 = arith.addi %get3A_94, %add3A_95 : vector<16xi32>
        %swap3A_97 = arith.constant 32 : index
        %swap3A_98 = tpu.vector_load %arg16[%swap3A_97] {strides = array<i32>} : memref<64xi32, #tpu.memory_space<vmem>>, vector<16xi32>,
        tpu.vector_store %arg16[%swap3A_97], %add3A_96 {strides = array<i32>} : memref<64xi32, #tpu.memory_space<vmem>>, vector<16xi32>,
        %get3A_99 = arith.constant 48 : index
        %get3A_100 = tpu.vector_load %arg14[%get3A_99] {strides = array<i32>} : memref<64xi32, #tpu.memory_space<vmem>>, vector<16xi32>,
        %add3A_101 = vector.broadcast %mul3A_6 : i32 to vector<16xi32>
        %add3A_102 = arith.addi %get3A_100, %add3A_101 : vector<16xi32>
        %swap3A_103 = arith.constant 48 : index
        %swap3A_104 = tpu.vector_load %arg14[%swap3A_103] {strides = array<i32>} : memref<64xi32, #tpu.memory_space<vmem>>, vector<16xi32>,
        tpu.vector_store %arg14[%swap3A_103], %add3A_102 {strides = array<i32>} : memref<64xi32, #tpu.memory_space<vmem>>, vector<16xi32>,
        %get3A_105 = arith.constant 48 : index
        %get3A_106 = tpu.vector_load %arg15[%get3A_105] {strides = array<i32>} : memref<64xi32, #tpu.memory_space<vmem>>, vector<16xi32>,
        %add3A_107 = vector.broadcast %mul3A_6 : i32 to vector<16xi32>
        %add3A_108 = arith.addi %get3A_106, %add3A_107 : vector<16xi32>
        %swap3A_109 = arith.constant 48 : index
        %swap3A_110 = tpu.vector_load %arg16[%swap3A_109] {strides = array<i32>} : memref<64xi32, #tpu.memory_space<vmem>>, vector<16xi32>,
        tpu.vector_store %arg16[%swap3A_109], %add3A_108 {strides = array<i32>} : memref<64xi32, #tpu.memory_space<vmem>>, vector<16xi32>,
        %dma_start3A = arith.constant 0 : i32
        %dma_start3A_111 = arith.constant 0 : i32
        %dma_start3A_112 = tpu.memref_slice %arg2[%dma_start3A, %dma_start3A_111] : memref<40000x144xf32, #tpu.memory_space<hbm>> -> memref<40000x144xf32, #tpu.memory_space<hbm>>
        tpu.enqueue_indirect_dma source(%dma_start3A_112 : memref<40000x144xf32, #tpu.memory_space<hbm>>) target(%arg17 : memref<64x144xf32, #tpu.memory_space<vmem>>) offsets(%arg16 : memref<64xi32, #tpu.memory_space<vmem>>) semaphore(%arg22 : memref<!tpu.dma_semaphore, #tpu.memory_space<semaphore_mem>>)
        %dma_start3A_113 = arith.constant 0 : i32
        %dma_start3A_114 = arith.constant 0 : i32
        %dma_start3A_115 = tpu.memref_slice %arg3[%dma_start3A_113, %dma_start3A_114] : memref<40000x128xf32, #tpu.memory_space<hbm>> -> memref<40000x128xf32, #tpu.memory_space<hbm>>
        tpu.enqueue_indirect_dma source(%dma_start3A_115 : memref<40000x128xf32, #tpu.memory_space<hbm>>) target(%arg18 : memref<64x128xf32, #tpu.memory_space<vmem>>) offsets(%arg14 : memref<64xi32, #tpu.memory_space<vmem>>) semaphore(%arg23 : memref<!tpu.dma_semaphore, #tpu.memory_space<semaphore_mem>>)
        %dma_start3A_116 = arith.constant 0 : i32
        %dma_start3A_117 = arith.constant 0 : i32
        %dma_start3A_118 = tpu.memref_slice %arg4[%dma_start3A_116, %dma_start3A_117] : memref<40000x128xf32, #tpu.memory_space<hbm>> -> memref<40000x128xf32, #tpu.memory_space<hbm>>
        tpu.enqueue_indirect_dma source(%dma_start3A_118 : memref<40000x128xf32, #tpu.memory_space<hbm>>) target(%arg19 : memref<64x128xf32, #tpu.memory_space<vmem>>) offsets(%arg14 : memref<64xi32, #tpu.memory_space<vmem>>) semaphore(%arg24 : memref<!tpu.dma_semaphore, #tpu.memory_space<semaphore_mem>>)
        "tpu.region"() ({
          %run_scoped3A = tpu.sem_alloc : memref<!tpu.dma_semaphore, #tpu.memory_space<semaphore_mem>>
          %dma_start3A_133 = arith.constant 0 : i32
          %dma_start3A_134 = tpu.memref_slice %arg7[%mul3A_64, %dma_start3A_133] : memref<320000x16xf32, #tpu.memory_space<hbm>> -> memref<64x16xf32, #tpu.memory_space<hbm>>
          %dma_start3A_135 = arith.constant 0 : i32
          %dma_start3A_136 = tpu.memref_slice %arg7[%mul3A_64, %dma_start3A_135] : memref<320000x16xf32, #tpu.memory_space<hbm>> -> memref<64x16xf32, #tpu.memory_space<hbm>>
          tpu.enqueue_dma source(%dma_start3A_136 : memref<64x16xf32, #tpu.memory_space<hbm>>) target(%arg20 : memref<64x16xf32, #tpu.memory_space<vmem>>) target_semaphore(%run_scoped3A : memref<!tpu.dma_semaphore, #tpu.memory_space<semaphore_mem>>)
          %dma_wait3A_137 = arith.constant 0 : i32
          %dma_wait3A_138 = tpu.memref_slice %arg7[%mul3A_64, %dma_wait3A_137] : memref<320000x16xf32, #tpu.memory_space<hbm>> -> memref<64x16xf32, #tpu.memory_space<hbm>>
          %dma_wait3A_139 = arith.constant 0 : i32
          %dma_wait3A_140 = tpu.memref_slice %arg7[%mul3A_64, %dma_wait3A_139] : memref<320000x16xf32, #tpu.memory_space<hbm>> -> memref<64x16xf32, #tpu.memory_space<hbm>>
          tpu.wait_dma2 semaphore(%run_scoped3A : memref<!tpu.dma_semaphore, #tpu.memory_space<semaphore_mem>>) src(%dma_wait3A_140 : memref<64x16xf32, #tpu.memory_space<hbm>>) dst(%arg20 : memref<64x16xf32, #tpu.memory_space<vmem>>)
          tpu.yield
        }) : () -> ()
        %dma_wait3A = arith.constant 0 : i32
        %dma_wait3A_119 = arith.constant 0 : i32
        %dma_wait3A_120 = tpu.memref_slice %arg2[%dma_wait3A, %dma_wait3A_119] : memref<40000x144xf32, #tpu.memory_space<hbm>> -> memref<40000x144xf32, #tpu.memory_space<hbm>>
        tpu.wait_indirect_dma semaphore(%arg22 : memref<!tpu.dma_semaphore, #tpu.memory_space<semaphore_mem>>) src(%dma_wait3A_120 : memref<40000x144xf32, #tpu.memory_space<hbm>>) dst(%arg17 : memref<64x144xf32, #tpu.memory_space<vmem>>)
        %dma_wait3A_121 = arith.constant 0 : i32
        %dma_wait3A_122 = arith.constant 0 : i32
        %dma_wait3A_123 = tpu.memref_slice %arg3[%dma_wait3A_121, %dma_wait3A_122] : memref<40000x128xf32, #tpu.memory_space<hbm>> -> memref<40000x128xf32, #tpu.memory_space<hbm>>
        tpu.wait_indirect_dma semaphore(%arg23 : memref<!tpu.dma_semaphore, #tpu.memory_space<semaphore_mem>>) src(%dma_wait3A_123 : memref<40000x128xf32, #tpu.memory_space<hbm>>) dst(%arg18 : memref<64x128xf32, #tpu.memory_space<vmem>>)
        %dma_wait3A_124 = arith.constant 0 : i32
        %dma_wait3A_125 = arith.constant 0 : i32
        %dma_wait3A_126 = tpu.memref_slice %arg4[%dma_wait3A_124, %dma_wait3A_125] : memref<40000x128xf32, #tpu.memory_space<hbm>> -> memref<40000x128xf32, #tpu.memory_space<hbm>>
        tpu.wait_indirect_dma semaphore(%arg24 : memref<!tpu.dma_semaphore, #tpu.memory_space<semaphore_mem>>) src(%dma_wait3A_126 : memref<40000x128xf32, #tpu.memory_space<hbm>>) dst(%arg19 : memref<64x128xf32, #tpu.memory_space<vmem>>)
        %scan3A_127 = arith.constant 0 : i32
        %scan3A_128 = arith.constant 0 : i32
        %scan3A_129 = arith.constant 64 : i32
        %scan3A_130 = arith.addi %scan3A_128, %scan3A_129 : i32
        %scan3A_131 = arith.constant 1 : i32
        scf.for %scan3A_133 = %scan3A_128 to %scan3A_130 step %scan3A_131  : i32 {
          %get3A_134 = arith.index_cast %scan3A_133 : i32 to index
          %get3A_135 = arith.constant 0 : index
          %get3A_136 = tpu.vector_load %arg17[%get3A_134, %get3A_135] {strides = array<i32>} : memref<64x144xf32, #tpu.memory_space<vmem>>, vector<16xf32>,
          %get3A_137 = arith.index_cast %scan3A_133 : i32 to index
          %get3A_138 = arith.constant 0 : index
          %get3A_139 = tpu.vector_load %arg18[%get3A_137, %get3A_138] {strides = array<i32>} : memref<64x128xf32, #tpu.memory_space<vmem>>, vector<16xf32>,
          %mul3A_140 = arith.mulf %get3A_136, %get3A_139 : vector<16xf32>
          %get3A_141 = arith.index_cast %scan3A_133 : i32 to index
          %get3A_142 = arith.constant 16 : index
          %get3A_143 = tpu.vector_load %arg17[%get3A_141, %get3A_142] {strides = array<i32>} : memref<64x144xf32, #tpu.memory_space<vmem>>, vector<16xf32>,
          %get3A_144 = arith.index_cast %scan3A_133 : i32 to index
          %get3A_145 = arith.constant 16 : index
          %get3A_146 = tpu.vector_load %arg18[%get3A_144, %get3A_145] {strides = array<i32>} : memref<64x128xf32, #tpu.memory_space<vmem>>, vector<16xf32>,
          %mul3A_147 = arith.mulf %get3A_143, %get3A_146 : vector<16xf32>
          %add3A_148 = arith.addf %mul3A_140, %mul3A_147 : vector<16xf32>
          %get3A_149 = arith.index_cast %scan3A_133 : i32 to index
          %get3A_150 = arith.constant 32 : index
          %get3A_151 = tpu.vector_load %arg17[%get3A_149, %get3A_150] {strides = array<i32>} : memref<64x144xf32, #tpu.memory_space<vmem>>, vector<16xf32>,
          %get3A_152 = arith.index_cast %scan3A_133 : i32 to index
          %get3A_153 = arith.constant 32 : index
          %get3A_154 = tpu.vector_load %arg18[%get3A_152, %get3A_153] {strides = array<i32>} : memref<64x128xf32, #tpu.memory_space<vmem>>, vector<16xf32>,
          %mul3A_155 = arith.mulf %get3A_151, %get3A_154 : vector<16xf32>
          %add3A_156 = arith.addf %add3A_148, %mul3A_155 : vector<16xf32>
          %get3A_157 = arith.index_cast %scan3A_133 : i32 to index
          %get3A_158 = arith.constant 48 : index
          %get3A_159 = tpu.vector_load %arg17[%get3A_157, %get3A_158] {strides = array<i32>} : memref<64x144xf32, #tpu.memory_space<vmem>>, vector<16xf32>,
          %get3A_160 = arith.index_cast %scan3A_133 : i32 to index
          %get3A_161 = arith.constant 48 : index
          %get3A_162 = tpu.vector_load %arg18[%get3A_160, %get3A_161] {strides = array<i32>} : memref<64x128xf32, #tpu.memory_space<vmem>>, vector<16xf32>,
          %mul3A_163 = arith.mulf %get3A_159, %get3A_162 : vector<16xf32>
          %add3A_164 = arith.addf %add3A_156, %mul3A_163 : vector<16xf32>
          %get3A_165 = arith.index_cast %scan3A_133 : i32 to index
          %get3A_166 = arith.constant 64 : index
          %get3A_167 = tpu.vector_load %arg17[%get3A_165, %get3A_166] {strides = array<i32>} : memref<64x144xf32, #tpu.memory_space<vmem>>, vector<16xf32>,
          %get3A_168 = arith.index_cast %scan3A_133 : i32 to index
          %get3A_169 = arith.constant 64 : index
          %get3A_170 = tpu.vector_load %arg18[%get3A_168, %get3A_169] {strides = array<i32>} : memref<64x128xf32, #tpu.memory_space<vmem>>, vector<16xf32>,
          %mul3A_171 = arith.mulf %get3A_167, %get3A_170 : vector<16xf32>
          %add3A_172 = arith.addf %add3A_164, %mul3A_171 : vector<16xf32>
          %get3A_173 = arith.index_cast %scan3A_133 : i32 to index
          %get3A_174 = arith.constant 80 : index
          %get3A_175 = tpu.vector_load %arg17[%get3A_173, %get3A_174] {strides = array<i32>} : memref<64x144xf32, #tpu.memory_space<vmem>>, vector<16xf32>,
          %get3A_176 = arith.index_cast %scan3A_133 : i32 to index
          %get3A_177 = arith.constant 80 : index
          %get3A_178 = tpu.vector_load %arg18[%get3A_176, %get3A_177] {strides = array<i32>} : memref<64x128xf32, #tpu.memory_space<vmem>>, vector<16xf32>,
          %mul3A_179 = arith.mulf %get3A_175, %get3A_178 : vector<16xf32>
          %add3A_180 = arith.addf %add3A_172, %mul3A_179 : vector<16xf32>
          %get3A_181 = arith.index_cast %scan3A_133 : i32 to index
          %get3A_182 = arith.constant 96 : index
          %get3A_183 = tpu.vector_load %arg17[%get3A_181, %get3A_182] {strides = array<i32>} : memref<64x144xf32, #tpu.memory_space<vmem>>, vector<16xf32>,
          %get3A_184 = arith.index_cast %scan3A_133 : i32 to index
          %get3A_185 = arith.constant 96 : index
          %get3A_186 = tpu.vector_load %arg18[%get3A_184, %get3A_185] {strides = array<i32>} : memref<64x128xf32, #tpu.memory_space<vmem>>, vector<16xf32>,
          %mul3A_187 = arith.mulf %get3A_183, %get3A_186 : vector<16xf32>
          %add3A_188 = arith.addf %add3A_180, %mul3A_187 : vector<16xf32>
          %get3A_189 = arith.index_cast %scan3A_133 : i32 to index
          %get3A_190 = arith.constant 112 : index
          %get3A_191 = tpu.vector_load %arg17[%get3A_189, %get3A_190] {strides = array<i32>} : memref<64x144xf32, #tpu.memory_space<vmem>>, vector<16xf32>,
          %get3A_192 = arith.index_cast %scan3A_133 : i32 to index
          %get3A_193 = arith.constant 112 : index
          %get3A_194 = tpu.vector_load %arg18[%get3A_192, %get3A_193] {strides = array<i32>} : memref<64x128xf32, #tpu.memory_space<vmem>>, vector<16xf32>,
          %mul3A_195 = arith.mulf %get3A_191, %get3A_194 : vector<16xf32>
          %add3A_196 = arith.addf %add3A_188, %mul3A_195 : vector<16xf32>
          %get3A_197 = arith.index_cast %scan3A_133 : i32 to index
          %get3A_198 = arith.constant 0 : index
          %get3A_199 = tpu.vector_load %arg20[%get3A_197, %get3A_198] {strides = array<i32>} : memref<64x16xf32, #tpu.memory_space<vmem>>, vector<16xf32>,
          %get3A_200 = arith.index_cast %scan3A_133 : i32 to index
          %get3A_201 = arith.constant 128 : index
          %get3A_202 = tpu.vector_load %arg17[%get3A_200, %get3A_201] {strides = array<i32>} : memref<64x144xf32, #tpu.memory_space<vmem>>, vector<16xf32>,
          %mul3A_203 = arith.mulf %get3A_202, %get3A_199 : vector<16xf32>
          %add3A_204 = arith.addf %add3A_196, %mul3A_203 : vector<16xf32>
          %reduce_sum3A = arith.constant true
          %reduce_sum3A_205 = vector.broadcast %reduce_sum3A : i1 to vector<16xi1>
          %reduce_sum3A_206 = tpu.scan <sum>, %add3A_204 masked %reduce_sum3A_205 : vector<16xf32>, vector<16xi1> -> vector<16xf32>
          %reduce_sum3A_207 = vector.extract %reduce_sum3A_206[15] : f32 from vector<16xf32>
          %broadcast_in_dim3A_208 = vector.broadcast %reduce_sum3A_207 : f32 to vector<16xf32>
          %exp3A = math.exp %broadcast_in_dim3A_208 : vector<16xf32>
          %get3A_209 = arith.index_cast %scan3A_133 : i32 to index
          %get3A_210 = arith.constant 0 : index
          %get3A_211 = tpu.vector_load %arg19[%get3A_209, %get3A_210] {strides = array<i32>} : memref<64x128xf32, #tpu.memory_space<vmem>>, vector<16xf32>,
          %mul3A_212 = arith.mulf %exp3A, %get3A_211 : vector<16xf32>
          %swap3A_213 = arith.index_cast %scan3A_133 : i32 to index
          %swap3A_214 = arith.constant 0 : index
          %swap3A_215 = tpu.vector_load %arg19[%swap3A_213, %swap3A_214] {strides = array<i32>} : memref<64x128xf32, #tpu.memory_space<vmem>>, vector<16xf32>,
          tpu.vector_store %arg19[%swap3A_213, %swap3A_214], %mul3A_212 {strides = array<i32>} : memref<64x128xf32, #tpu.memory_space<vmem>>, vector<16xf32>,
          %get3A_216 = arith.index_cast %scan3A_133 : i32 to index
          %get3A_217 = arith.constant 16 : index
          %get3A_218 = tpu.vector_load %arg19[%get3A_216, %get3A_217] {strides = array<i32>} : memref<64x128xf32, #tpu.memory_space<vmem>>, vector<16xf32>,
          %mul3A_219 = arith.mulf %exp3A, %get3A_218 : vector<16xf32>
          %swap3A_220 = arith.index_cast %scan3A_133 : i32 to index
          %swap3A_221 = arith.constant 16 : index
          %swap3A_222 = tpu.vector_load %arg19[%swap3A_220, %swap3A_221] {strides = array<i32>} : memref<64x128xf32, #tpu.memory_space<vmem>>, vector<16xf32>,
          tpu.vector_store %arg19[%swap3A_220, %swap3A_221], %mul3A_219 {strides = array<i32>} : memref<64x128xf32, #tpu.memory_space<vmem>>, vector<16xf32>,
          %get3A_223 = arith.index_cast %scan3A_133 : i32 to index
          %get3A_224 = arith.constant 32 : index
          %get3A_225 = tpu.vector_load %arg19[%get3A_223, %get3A_224] {strides = array<i32>} : memref<64x128xf32, #tpu.memory_space<vmem>>, vector<16xf32>,
          %mul3A_226 = arith.mulf %exp3A, %get3A_225 : vector<16xf32>
          %swap3A_227 = arith.index_cast %scan3A_133 : i32 to index
          %swap3A_228 = arith.constant 32 : index
          %swap3A_229 = tpu.vector_load %arg19[%swap3A_227, %swap3A_228] {strides = array<i32>} : memref<64x128xf32, #tpu.memory_space<vmem>>, vector<16xf32>,
          tpu.vector_store %arg19[%swap3A_227, %swap3A_228], %mul3A_226 {strides = array<i32>} : memref<64x128xf32, #tpu.memory_space<vmem>>, vector<16xf32>,
          %get3A_230 = arith.index_cast %scan3A_133 : i32 to index
          %get3A_231 = arith.constant 48 : index
          %get3A_232 = tpu.vector_load %arg19[%get3A_230, %get3A_231] {strides = array<i32>} : memref<64x128xf32, #tpu.memory_space<vmem>>, vector<16xf32>,
          %mul3A_233 = arith.mulf %exp3A, %get3A_232 : vector<16xf32>
          %swap3A_234 = arith.index_cast %scan3A_133 : i32 to index
          %swap3A_235 = arith.constant 48 : index
          %swap3A_236 = tpu.vector_load %arg19[%swap3A_234, %swap3A_235] {strides = array<i32>} : memref<64x128xf32, #tpu.memory_space<vmem>>, vector<16xf32>,
          tpu.vector_store %arg19[%swap3A_234, %swap3A_235], %mul3A_233 {strides = array<i32>} : memref<64x128xf32, #tpu.memory_space<vmem>>, vector<16xf32>,
          %get3A_237 = arith.index_cast %scan3A_133 : i32 to index
          %get3A_238 = arith.constant 64 : index
          %get3A_239 = tpu.vector_load %arg19[%get3A_237, %get3A_238] {strides = array<i32>} : memref<64x128xf32, #tpu.memory_space<vmem>>, vector<16xf32>,
          %mul3A_240 = arith.mulf %exp3A, %get3A_239 : vector<16xf32>
          %swap3A_241 = arith.index_cast %scan3A_133 : i32 to index
          %swap3A_242 = arith.constant 64 : index
          %swap3A_243 = tpu.vector_load %arg19[%swap3A_241, %swap3A_242] {strides = array<i32>} : memref<64x128xf32, #tpu.memory_space<vmem>>, vector<16xf32>,
          tpu.vector_store %arg19[%swap3A_241, %swap3A_242], %mul3A_240 {strides = array<i32>} : memref<64x128xf32, #tpu.memory_space<vmem>>, vector<16xf32>,
          %get3A_244 = arith.index_cast %scan3A_133 : i32 to index
          %get3A_245 = arith.constant 80 : index
          %get3A_246 = tpu.vector_load %arg19[%get3A_244, %get3A_245] {strides = array<i32>} : memref<64x128xf32, #tpu.memory_space<vmem>>, vector<16xf32>,
          %mul3A_247 = arith.mulf %exp3A, %get3A_246 : vector<16xf32>
          %swap3A_248 = arith.index_cast %scan3A_133 : i32 to index
          %swap3A_249 = arith.constant 80 : index
          %swap3A_250 = tpu.vector_load %arg19[%swap3A_248, %swap3A_249] {strides = array<i32>} : memref<64x128xf32, #tpu.memory_space<vmem>>, vector<16xf32>,
          tpu.vector_store %arg19[%swap3A_248, %swap3A_249], %mul3A_247 {strides = array<i32>} : memref<64x128xf32, #tpu.memory_space<vmem>>, vector<16xf32>,
          %get3A_251 = arith.index_cast %scan3A_133 : i32 to index
          %get3A_252 = arith.constant 96 : index
          %get3A_253 = tpu.vector_load %arg19[%get3A_251, %get3A_252] {strides = array<i32>} : memref<64x128xf32, #tpu.memory_space<vmem>>, vector<16xf32>,
          %mul3A_254 = arith.mulf %exp3A, %get3A_253 : vector<16xf32>
          %swap3A_255 = arith.index_cast %scan3A_133 : i32 to index
          %swap3A_256 = arith.constant 96 : index
          %swap3A_257 = tpu.vector_load %arg19[%swap3A_255, %swap3A_256] {strides = array<i32>} : memref<64x128xf32, #tpu.memory_space<vmem>>, vector<16xf32>,
          tpu.vector_store %arg19[%swap3A_255, %swap3A_256], %mul3A_254 {strides = array<i32>} : memref<64x128xf32, #tpu.memory_space<vmem>>, vector<16xf32>,
          %get3A_258 = arith.index_cast %scan3A_133 : i32 to index
          %get3A_259 = arith.constant 112 : index
          %get3A_260 = tpu.vector_load %arg19[%get3A_258, %get3A_259] {strides = array<i32>} : memref<64x128xf32, #tpu.memory_space<vmem>>, vector<16xf32>,
          %mul3A_261 = arith.mulf %exp3A, %get3A_260 : vector<16xf32>
          %swap3A_262 = arith.index_cast %scan3A_133 : i32 to index
          %swap3A_263 = arith.constant 112 : index
          %swap3A_264 = tpu.vector_load %arg19[%swap3A_262, %swap3A_263] {strides = array<i32>} : memref<64x128xf32, #tpu.memory_space<vmem>>, vector<16xf32>,
          tpu.vector_store %arg19[%swap3A_262, %swap3A_263], %mul3A_261 {strides = array<i32>} : memref<64x128xf32, #tpu.memory_space<vmem>>, vector<16xf32>,
          %mul3A_265 = arith.mulf %exp3A, %get3A_199 : vector<16xf32>
          %swap3A_266 = arith.index_cast %scan3A_133 : i32 to index
          %swap3A_267 = arith.constant 0 : index
          %swap3A_268 = tpu.vector_load %arg21[%swap3A_266, %swap3A_267] {strides = array<i32>} : memref<64x32xf32, #tpu.memory_space<vmem>>, vector<16xf32>,
          tpu.vector_store %arg21[%swap3A_266, %swap3A_267], %mul3A_265 {strides = array<i32>} : memref<64x32xf32, #tpu.memory_space<vmem>>, vector<16xf32>,
          %select_n3A = arith.select %eq3A_1, %exp3A, %broadcast_in_dim3A_2 : vector<16xi1>, vector<16xf32>
          %swap3A_269 = arith.index_cast %scan3A_133 : i32 to index
          %swap3A_270 = arith.constant 16 : index
          %swap3A_271 = tpu.vector_load %arg21[%swap3A_269, %swap3A_270] {strides = array<i32>} : memref<64x32xf32, #tpu.memory_space<vmem>>, vector<16xf32>,
          tpu.vector_store %arg21[%swap3A_269, %swap3A_270], %select_n3A {strides = array<i32>} : memref<64x32xf32, #tpu.memory_space<vmem>>, vector<16xf32>,
        }
        %scan3A_132 = arith.constant 64 : i32
        "tpu.region"() ({
          %run_scoped3A = tpu.sem_alloc : memref<!tpu.dma_semaphore, #tpu.memory_space<semaphore_mem>>
          %dma_start3A_133 = arith.constant 0 : i32
          %dma_start3A_134 = arith.constant 0 : i32
          %dma_start3A_135 = tpu.memref_slice %arg12[%dma_start3A_133, %dma_start3A_134] : memref<10000x128xf32, #tpu.memory_space<vmem_shared>> -> memref<10000x128xf32, #tpu.memory_space<vmem_shared>>
          tpu.enqueue_indirect_dma source(%arg19 : memref<64x128xf32, #tpu.memory_space<vmem>>) target(%dma_start3A_135 : memref<10000x128xf32, #tpu.memory_space<vmem_shared>>) offsets(%arg15 : memref<64xi32, #tpu.memory_space<vmem>>) semaphore(%run_scoped3A : memref<!tpu.dma_semaphore, #tpu.memory_space<semaphore_mem>>) {add = true}
          %dma_wait3A_136 = arith.constant 0 : i32
          %dma_wait3A_137 = arith.constant 0 : i32
          %dma_wait3A_138 = tpu.memref_slice %arg12[%dma_wait3A_136, %dma_wait3A_137] : memref<10000x128xf32, #tpu.memory_space<vmem_shared>> -> memref<10000x128xf32, #tpu.memory_space<vmem_shared>>
          tpu.wait_indirect_dma semaphore(%run_scoped3A : memref<!tpu.dma_semaphore, #tpu.memory_space<semaphore_mem>>) src(%arg19 : memref<64x128xf32, #tpu.memory_space<vmem>>) dst(%dma_wait3A_138 : memref<10000x128xf32, #tpu.memory_space<vmem_shared>>)
          tpu.yield
        }) : () -> ()
        "tpu.region"() ({
          %run_scoped3A = tpu.sem_alloc : memref<!tpu.dma_semaphore, #tpu.memory_space<semaphore_mem>>
          %dma_start3A_133 = arith.constant 0 : i32
          %dma_start3A_134 = arith.constant 0 : i32
          %dma_start3A_135 = tpu.memref_slice %arg13[%dma_start3A_133, %dma_start3A_134] : memref<10000x32xf32, #tpu.memory_space<vmem_shared>> -> memref<10000x32xf32, #tpu.memory_space<vmem_shared>>
          tpu.enqueue_indirect_dma source(%arg21 : memref<64x32xf32, #tpu.memory_space<vmem>>) target(%dma_start3A_135 : memref<10000x32xf32, #tpu.memory_space<vmem_shared>>) offsets(%arg15 : memref<64xi32, #tpu.memory_space<vmem>>) semaphore(%run_scoped3A : memref<!tpu.dma_semaphore, #tpu.memory_space<semaphore_mem>>) {add = true}
          %dma_wait3A_136 = arith.constant 0 : i32
          %dma_wait3A_137 = arith.constant 0 : i32
          %dma_wait3A_138 = tpu.memref_slice %arg13[%dma_wait3A_136, %dma_wait3A_137] : memref<10000x32xf32, #tpu.memory_space<vmem_shared>> -> memref<10000x32xf32, #tpu.memory_space<vmem_shared>>
          tpu.wait_indirect_dma semaphore(%run_scoped3A : memref<!tpu.dma_semaphore, #tpu.memory_space<semaphore_mem>>) src(%arg21 : memref<64x32xf32, #tpu.memory_space<vmem>>) dst(%dma_wait3A_138 : memref<10000x32xf32, #tpu.memory_space<vmem_shared>>)
          tpu.yield
        }) : () -> ()
      } else {
      }
    }
    %scan3A_15 = arith.constant 313 : i32
    %barrier3A_16 = arith.constant 0 : index
    tpu.barrier barrier_id(%barrier3A_16)
    %mul3A_17 = arith.constant 625 : i32
    %mul3A_18 = arith.muli %arg1, %mul3A_17 : i32
    %mul3A_19 = arith.constant 625 : i32
    %mul3A_20 = arith.muli %arg1, %mul3A_19 : i32
    %add3A_21 = arith.addi %mul3A_6, %mul3A_20 : i32
    "tpu.region"() ({
      %run_scoped3A = tpu.sem_alloc : memref<!tpu.dma_semaphore, #tpu.memory_space<semaphore_mem>>
      %dma_start3A = arith.constant 0 : i32
      %dma_start3A_57 = tpu.memref_slice %arg10[%add3A_21, %dma_start3A] : memref<40000x128xf32, #tpu.memory_space<hbm>> -> memref<625x128xf32, #tpu.memory_space<hbm>>
      %dma_start3A_58 = arith.constant 0 : i32
      %dma_start3A_59 = tpu.memref_slice %arg12[%mul3A_18, %dma_start3A_58] : memref<10000x128xf32, #tpu.memory_space<vmem_shared>> -> memref<625x128xf32, #tpu.memory_space<vmem_shared>>
      tpu.enqueue_dma source(%dma_start3A_59 : memref<625x128xf32, #tpu.memory_space<vmem_shared>>) target(%dma_start3A_57 : memref<625x128xf32, #tpu.memory_space<hbm>>) target_semaphore(%run_scoped3A : memref<!tpu.dma_semaphore, #tpu.memory_space<semaphore_mem>>)
      %dma_wait3A = arith.constant 0 : i32
      %dma_wait3A_60 = tpu.memref_slice %arg10[%add3A_21, %dma_wait3A] : memref<40000x128xf32, #tpu.memory_space<hbm>> -> memref<625x128xf32, #tpu.memory_space<hbm>>
      %dma_wait3A_61 = arith.constant 0 : i32
      %dma_wait3A_62 = tpu.memref_slice %arg12[%mul3A_18, %dma_wait3A_61] : memref<10000x128xf32, #tpu.memory_space<vmem_shared>> -> memref<625x128xf32, #tpu.memory_space<vmem_shared>>
      tpu.wait_dma2 semaphore(%run_scoped3A : memref<!tpu.dma_semaphore, #tpu.memory_space<semaphore_mem>>) src(%dma_wait3A_62 : memref<625x128xf32, #tpu.memory_space<vmem_shared>>) dst(%dma_wait3A_60 : memref<625x128xf32, #tpu.memory_space<hbm>>)
      tpu.yield
    }) : () -> ()
    %mul3A_22 = arith.constant 625 : i32
    %mul3A_23 = arith.muli %arg1, %mul3A_22 : i32
    %mul3A_24 = arith.constant 625 : i32
    %mul3A_25 = arith.muli %arg1, %mul3A_24 : i32
    %add3A_26 = arith.addi %mul3A_6, %mul3A_25 : i32
    "tpu.region"() ({
      %run_scoped3A = tpu.sem_alloc : memref<!tpu.dma_semaphore, #tpu.memory_space<semaphore_mem>>
      %dma_start3A = arith.constant 0 : i32
      %dma_start3A_57 = tpu.memref_slice %arg11[%add3A_26, %dma_start3A] : memref<40000x32xf32, #tpu.memory_space<hbm>> -> memref<625x32xf32, #tpu.memory_space<hbm>>
      %dma_start3A_58 = arith.constant 0 : i32
      %dma_start3A_59 = tpu.memref_slice %arg13[%mul3A_23, %dma_start3A_58] : memref<10000x32xf32, #tpu.memory_space<vmem_shared>> -> memref<625x32xf32, #tpu.memory_space<vmem_shared>>
      tpu.enqueue_dma source(%dma_start3A_59 : memref<625x32xf32, #tpu.memory_space<vmem_shared>>) target(%dma_start3A_57 : memref<625x32xf32, #tpu.memory_space<hbm>>) target_semaphore(%run_scoped3A : memref<!tpu.dma_semaphore, #tpu.memory_space<semaphore_mem>>)
      %dma_wait3A = arith.constant 0 : i32
      %dma_wait3A_60 = tpu.memref_slice %arg11[%add3A_26, %dma_wait3A] : memref<40000x32xf32, #tpu.memory_space<hbm>> -> memref<625x32xf32, #tpu.memory_space<hbm>>
      %dma_wait3A_61 = arith.constant 0 : i32
      %dma_wait3A_62 = tpu.memref_slice %arg13[%mul3A_23, %dma_wait3A_61] : memref<10000x32xf32, #tpu.memory_space<vmem_shared>> -> memref<625x32xf32, #tpu.memory_space<vmem_shared>>
      tpu.wait_dma2 semaphore(%run_scoped3A : memref<!tpu.dma_semaphore, #tpu.memory_space<semaphore_mem>>) src(%dma_wait3A_62 : memref<625x32xf32, #tpu.memory_space<vmem_shared>>) dst(%dma_wait3A_60 : memref<625x32xf32, #tpu.memory_space<hbm>>)
      tpu.yield
    }) : () -> ()
    %barrier3A_27 = arith.constant 0 : index
    tpu.barrier barrier_id(%barrier3A_27)
    %mul3A_28 = arith.constant 2 : i32
    %mul3A_29 = arith.muli %mul3A_28, %arg0 : i32
    %add3A_30 = arith.constant 1 : i32
    %add3A_31 = arith.addi %mul3A_29, %add3A_30 : i32
    %mul3A_32 = arith.constant 10000 : i32
    %mul3A_33 = arith.muli %add3A_31, %mul3A_32 : i32
    %mul3A_34 = arith.constant 625 : i32
    %mul3A_35 = arith.muli %arg1, %mul3A_34 : i32
    "tpu.region"() ({
      %run_scoped3A = tpu.sem_alloc : memref<!tpu.dma_semaphore, #tpu.memory_space<semaphore_mem>>
      %dma_start3A = arith.constant 0 : i32
      %dma_start3A_57 = tpu.memref_slice %arg12[%mul3A_35, %dma_start3A] : memref<10000x128xf32, #tpu.memory_space<vmem_shared>> -> memref<625x128xf32, #tpu.memory_space<vmem_shared>>
      tpu.enqueue_dma source(%arg8 : memref<625x128xf32, #tpu.memory_space<hbm>>) target(%dma_start3A_57 : memref<625x128xf32, #tpu.memory_space<vmem_shared>>) target_semaphore(%run_scoped3A : memref<!tpu.dma_semaphore, #tpu.memory_space<semaphore_mem>>)
      %dma_wait3A = arith.constant 0 : i32
      %dma_wait3A_58 = tpu.memref_slice %arg12[%mul3A_35, %dma_wait3A] : memref<10000x128xf32, #tpu.memory_space<vmem_shared>> -> memref<625x128xf32, #tpu.memory_space<vmem_shared>>
      tpu.wait_dma2 semaphore(%run_scoped3A : memref<!tpu.dma_semaphore, #tpu.memory_space<semaphore_mem>>) src(%arg8 : memref<625x128xf32, #tpu.memory_space<hbm>>) dst(%dma_wait3A_58 : memref<625x128xf32, #tpu.memory_space<vmem_shared>>)
      tpu.yield
    }) : () -> ()
    %mul3A_36 = arith.constant 625 : i32
    %mul3A_37 = arith.muli %arg1, %mul3A_36 : i32
    "tpu.region"() ({
      %run_scoped3A = tpu.sem_alloc : memref<!tpu.dma_semaphore, #tpu.memory_space<semaphore_mem>>
      %dma_start3A = arith.constant 0 : i32
      %dma_start3A_57 = tpu.memref_slice %arg13[%mul3A_37, %dma_start3A] : memref<10000x32xf32, #tpu.memory_space<vmem_shared>> -> memref<625x32xf32, #tpu.memory_space<vmem_shared>>
      tpu.enqueue_dma source(%arg9 : memref<625x32xf32, #tpu.memory_space<hbm>>) target(%dma_start3A_57 : memref<625x32xf32, #tpu.memory_space<vmem_shared>>) target_semaphore(%run_scoped3A : memref<!tpu.dma_semaphore, #tpu.memory_space<semaphore_mem>>)
      %dma_wait3A = arith.constant 0 : i32
      %dma_wait3A_58 = tpu.memref_slice %arg13[%mul3A_37, %dma_wait3A] : memref<10000x32xf32, #tpu.memory_space<vmem_shared>> -> memref<625x32xf32, #tpu.memory_space<vmem_shared>>
      tpu.wait_dma2 semaphore(%run_scoped3A : memref<!tpu.dma_semaphore, #tpu.memory_space<semaphore_mem>>) src(%arg9 : memref<625x32xf32, #tpu.memory_space<hbm>>) dst(%dma_wait3A_58 : memref<625x32xf32, #tpu.memory_space<vmem_shared>>)
      tpu.yield
    }) : () -> ()
    %barrier3A_38 = arith.constant 0 : index
    tpu.barrier barrier_id(%barrier3A_38)
    %scan3A_39 = arith.constant 0 : i32
    %scan3A_40 = arith.constant 0 : i32
    %scan3A_41 = arith.constant 313 : i32
    %scan3A_42 = arith.addi %scan3A_40, %scan3A_41 : i32
    %scan3A_43 = arith.constant 1 : i32
    scf.for %scan3A_57 = %scan3A_40 to %scan3A_42 step %scan3A_43  : i32 {
      %mul3A_58 = arith.constant 16 : i32
      %mul3A_59 = arith.muli %scan3A_57, %mul3A_58 : i32
      %add3A_60 = arith.addi %mul3A_59, %arg1 : i32
      %lt3A = arith.constant 5000 : i32
      %lt3A_61 = arith.cmpi slt, %add3A_60, %lt3A : i32
      %convert_element_type3A = arith.extui %lt3A_61 : i1 to i32
      %cond3A = arith.constant 0 : i32
      %cond3A_62 = arith.cmpi ne, %convert_element_type3A, %cond3A : i32
      scf.if %cond3A_62 {
        %mul3A_63 = arith.constant 64 : i32
        %mul3A_64 = arith.muli %add3A_60, %mul3A_63 : i32
        "tpu.region"() ({
          %run_scoped3A = tpu.sem_alloc : memref<!tpu.dma_semaphore, #tpu.memory_space<semaphore_mem>>
          %dma_start3A_133 = tpu.memref_slice %arg5[%mul3A_64] : memref<320000xi32, #tpu.memory_space<hbm>> -> memref<64xi32, #tpu.memory_space<hbm>>
          %dma_start3A_134 = tpu.memref_slice %arg5[%mul3A_64] : memref<320000xi32, #tpu.memory_space<hbm>> -> memref<64xi32, #tpu.memory_space<hbm>>
          tpu.enqueue_dma source(%dma_start3A_134 : memref<64xi32, #tpu.memory_space<hbm>>) target(%arg14 : memref<64xi32, #tpu.memory_space<vmem>>) target_semaphore(%run_scoped3A : memref<!tpu.dma_semaphore, #tpu.memory_space<semaphore_mem>>)
          %dma_wait3A_135 = tpu.memref_slice %arg5[%mul3A_64] : memref<320000xi32, #tpu.memory_space<hbm>> -> memref<64xi32, #tpu.memory_space<hbm>>
          %dma_wait3A_136 = tpu.memref_slice %arg5[%mul3A_64] : memref<320000xi32, #tpu.memory_space<hbm>> -> memref<64xi32, #tpu.memory_space<hbm>>
          tpu.wait_dma2 semaphore(%run_scoped3A : memref<!tpu.dma_semaphore, #tpu.memory_space<semaphore_mem>>) src(%dma_wait3A_136 : memref<64xi32, #tpu.memory_space<hbm>>) dst(%arg14 : memref<64xi32, #tpu.memory_space<vmem>>)
          tpu.yield
        }) : () -> ()
        "tpu.region"() ({
          %run_scoped3A = tpu.sem_alloc : memref<!tpu.dma_semaphore, #tpu.memory_space<semaphore_mem>>
          %dma_start3A_133 = tpu.memref_slice %arg6[%mul3A_64] : memref<320000xi32, #tpu.memory_space<hbm>> -> memref<64xi32, #tpu.memory_space<hbm>>
          %dma_start3A_134 = tpu.memref_slice %arg6[%mul3A_64] : memref<320000xi32, #tpu.memory_space<hbm>> -> memref<64xi32, #tpu.memory_space<hbm>>
          tpu.enqueue_dma source(%dma_start3A_134 : memref<64xi32, #tpu.memory_space<hbm>>) target(%arg15 : memref<64xi32, #tpu.memory_space<vmem>>) target_semaphore(%run_scoped3A : memref<!tpu.dma_semaphore, #tpu.memory_space<semaphore_mem>>)
          %dma_wait3A_135 = tpu.memref_slice %arg6[%mul3A_64] : memref<320000xi32, #tpu.memory_space<hbm>> -> memref<64xi32, #tpu.memory_space<hbm>>
          %dma_wait3A_136 = tpu.memref_slice %arg6[%mul3A_64] : memref<320000xi32, #tpu.memory_space<hbm>> -> memref<64xi32, #tpu.memory_space<hbm>>
          tpu.wait_dma2 semaphore(%run_scoped3A : memref<!tpu.dma_semaphore, #tpu.memory_space<semaphore_mem>>) src(%dma_wait3A_136 : memref<64xi32, #tpu.memory_space<hbm>>) dst(%arg15 : memref<64xi32, #tpu.memory_space<vmem>>)
          tpu.yield
        }) : () -> ()
        %get3A = arith.constant 0 : index
        %get3A_65 = tpu.vector_load %arg14[%get3A] {strides = array<i32>} : memref<64xi32, #tpu.memory_space<vmem>>, vector<16xi32>,
        %add3A_66 = vector.broadcast %mul3A_33 : i32 to vector<16xi32>
        %add3A_67 = arith.addi %get3A_65, %add3A_66 : vector<16xi32>
        %swap3A = arith.constant 0 : index
        %swap3A_68 = tpu.vector_load %arg14[%swap3A] {strides = array<i32>} : memref<64xi32, #tpu.memory_space<vmem>>, vector<16xi32>,
        tpu.vector_store %arg14[%swap3A], %add3A_67 {strides = array<i32>} : memref<64xi32, #tpu.memory_space<vmem>>, vector<16xi32>,
        %get3A_69 = arith.constant 0 : index
        %get3A_70 = tpu.vector_load %arg15[%get3A_69] {strides = array<i32>} : memref<64xi32, #tpu.memory_space<vmem>>, vector<16xi32>,
        %add3A_71 = vector.broadcast %mul3A_33 : i32 to vector<16xi32>
        %add3A_72 = arith.addi %get3A_70, %add3A_71 : vector<16xi32>
        %swap3A_73 = arith.constant 0 : index
        %swap3A_74 = tpu.vector_load %arg16[%swap3A_73] {strides = array<i32>} : memref<64xi32, #tpu.memory_space<vmem>>, vector<16xi32>,
        tpu.vector_store %arg16[%swap3A_73], %add3A_72 {strides = array<i32>} : memref<64xi32, #tpu.memory_space<vmem>>, vector<16xi32>,
        %get3A_75 = arith.constant 16 : index
        %get3A_76 = tpu.vector_load %arg14[%get3A_75] {strides = array<i32>} : memref<64xi32, #tpu.memory_space<vmem>>, vector<16xi32>,
        %add3A_77 = vector.broadcast %mul3A_33 : i32 to vector<16xi32>
        %add3A_78 = arith.addi %get3A_76, %add3A_77 : vector<16xi32>
        %swap3A_79 = arith.constant 16 : index
        %swap3A_80 = tpu.vector_load %arg14[%swap3A_79] {strides = array<i32>} : memref<64xi32, #tpu.memory_space<vmem>>, vector<16xi32>,
        tpu.vector_store %arg14[%swap3A_79], %add3A_78 {strides = array<i32>} : memref<64xi32, #tpu.memory_space<vmem>>, vector<16xi32>,
        %get3A_81 = arith.constant 16 : index
        %get3A_82 = tpu.vector_load %arg15[%get3A_81] {strides = array<i32>} : memref<64xi32, #tpu.memory_space<vmem>>, vector<16xi32>,
        %add3A_83 = vector.broadcast %mul3A_33 : i32 to vector<16xi32>
        %add3A_84 = arith.addi %get3A_82, %add3A_83 : vector<16xi32>
        %swap3A_85 = arith.constant 16 : index
        %swap3A_86 = tpu.vector_load %arg16[%swap3A_85] {strides = array<i32>} : memref<64xi32, #tpu.memory_space<vmem>>, vector<16xi32>,
        tpu.vector_store %arg16[%swap3A_85], %add3A_84 {strides = array<i32>} : memref<64xi32, #tpu.memory_space<vmem>>, vector<16xi32>,
        %get3A_87 = arith.constant 32 : index
        %get3A_88 = tpu.vector_load %arg14[%get3A_87] {strides = array<i32>} : memref<64xi32, #tpu.memory_space<vmem>>, vector<16xi32>,
        %add3A_89 = vector.broadcast %mul3A_33 : i32 to vector<16xi32>
        %add3A_90 = arith.addi %get3A_88, %add3A_89 : vector<16xi32>
        %swap3A_91 = arith.constant 32 : index
        %swap3A_92 = tpu.vector_load %arg14[%swap3A_91] {strides = array<i32>} : memref<64xi32, #tpu.memory_space<vmem>>, vector<16xi32>,
        tpu.vector_store %arg14[%swap3A_91], %add3A_90 {strides = array<i32>} : memref<64xi32, #tpu.memory_space<vmem>>, vector<16xi32>,
        %get3A_93 = arith.constant 32 : index
        %get3A_94 = tpu.vector_load %arg15[%get3A_93] {strides = array<i32>} : memref<64xi32, #tpu.memory_space<vmem>>, vector<16xi32>,
        %add3A_95 = vector.broadcast %mul3A_33 : i32 to vector<16xi32>
        %add3A_96 = arith.addi %get3A_94, %add3A_95 : vector<16xi32>
        %swap3A_97 = arith.constant 32 : index
        %swap3A_98 = tpu.vector_load %arg16[%swap3A_97] {strides = array<i32>} : memref<64xi32, #tpu.memory_space<vmem>>, vector<16xi32>,
        tpu.vector_store %arg16[%swap3A_97], %add3A_96 {strides = array<i32>} : memref<64xi32, #tpu.memory_space<vmem>>, vector<16xi32>,
        %get3A_99 = arith.constant 48 : index
        %get3A_100 = tpu.vector_load %arg14[%get3A_99] {strides = array<i32>} : memref<64xi32, #tpu.memory_space<vmem>>, vector<16xi32>,
        %add3A_101 = vector.broadcast %mul3A_33 : i32 to vector<16xi32>
        %add3A_102 = arith.addi %get3A_100, %add3A_101 : vector<16xi32>
        %swap3A_103 = arith.constant 48 : index
        %swap3A_104 = tpu.vector_load %arg14[%swap3A_103] {strides = array<i32>} : memref<64xi32, #tpu.memory_space<vmem>>, vector<16xi32>,
        tpu.vector_store %arg14[%swap3A_103], %add3A_102 {strides = array<i32>} : memref<64xi32, #tpu.memory_space<vmem>>, vector<16xi32>,
        %get3A_105 = arith.constant 48 : index
        %get3A_106 = tpu.vector_load %arg15[%get3A_105] {strides = array<i32>} : memref<64xi32, #tpu.memory_space<vmem>>, vector<16xi32>,
        %add3A_107 = vector.broadcast %mul3A_33 : i32 to vector<16xi32>
        %add3A_108 = arith.addi %get3A_106, %add3A_107 : vector<16xi32>
        %swap3A_109 = arith.constant 48 : index
        %swap3A_110 = tpu.vector_load %arg16[%swap3A_109] {strides = array<i32>} : memref<64xi32, #tpu.memory_space<vmem>>, vector<16xi32>,
        tpu.vector_store %arg16[%swap3A_109], %add3A_108 {strides = array<i32>} : memref<64xi32, #tpu.memory_space<vmem>>, vector<16xi32>,
        %dma_start3A = arith.constant 0 : i32
        %dma_start3A_111 = arith.constant 0 : i32
        %dma_start3A_112 = tpu.memref_slice %arg2[%dma_start3A, %dma_start3A_111] : memref<40000x144xf32, #tpu.memory_space<hbm>> -> memref<40000x144xf32, #tpu.memory_space<hbm>>
        tpu.enqueue_indirect_dma source(%dma_start3A_112 : memref<40000x144xf32, #tpu.memory_space<hbm>>) target(%arg17 : memref<64x144xf32, #tpu.memory_space<vmem>>) offsets(%arg16 : memref<64xi32, #tpu.memory_space<vmem>>) semaphore(%arg22 : memref<!tpu.dma_semaphore, #tpu.memory_space<semaphore_mem>>)
        %dma_start3A_113 = arith.constant 0 : i32
        %dma_start3A_114 = arith.constant 0 : i32
        %dma_start3A_115 = tpu.memref_slice %arg3[%dma_start3A_113, %dma_start3A_114] : memref<40000x128xf32, #tpu.memory_space<hbm>> -> memref<40000x128xf32, #tpu.memory_space<hbm>>
        tpu.enqueue_indirect_dma source(%dma_start3A_115 : memref<40000x128xf32, #tpu.memory_space<hbm>>) target(%arg18 : memref<64x128xf32, #tpu.memory_space<vmem>>) offsets(%arg14 : memref<64xi32, #tpu.memory_space<vmem>>) semaphore(%arg23 : memref<!tpu.dma_semaphore, #tpu.memory_space<semaphore_mem>>)
        %dma_start3A_116 = arith.constant 0 : i32
        %dma_start3A_117 = arith.constant 0 : i32
        %dma_start3A_118 = tpu.memref_slice %arg4[%dma_start3A_116, %dma_start3A_117] : memref<40000x128xf32, #tpu.memory_space<hbm>> -> memref<40000x128xf32, #tpu.memory_space<hbm>>
        tpu.enqueue_indirect_dma source(%dma_start3A_118 : memref<40000x128xf32, #tpu.memory_space<hbm>>) target(%arg19 : memref<64x128xf32, #tpu.memory_space<vmem>>) offsets(%arg14 : memref<64xi32, #tpu.memory_space<vmem>>) semaphore(%arg24 : memref<!tpu.dma_semaphore, #tpu.memory_space<semaphore_mem>>)
        "tpu.region"() ({
          %run_scoped3A = tpu.sem_alloc : memref<!tpu.dma_semaphore, #tpu.memory_space<semaphore_mem>>
          %dma_start3A_133 = arith.constant 0 : i32
          %dma_start3A_134 = tpu.memref_slice %arg7[%mul3A_64, %dma_start3A_133] : memref<320000x16xf32, #tpu.memory_space<hbm>> -> memref<64x16xf32, #tpu.memory_space<hbm>>
          %dma_start3A_135 = arith.constant 0 : i32
          %dma_start3A_136 = tpu.memref_slice %arg7[%mul3A_64, %dma_start3A_135] : memref<320000x16xf32, #tpu.memory_space<hbm>> -> memref<64x16xf32, #tpu.memory_space<hbm>>
          tpu.enqueue_dma source(%dma_start3A_136 : memref<64x16xf32, #tpu.memory_space<hbm>>) target(%arg20 : memref<64x16xf32, #tpu.memory_space<vmem>>) target_semaphore(%run_scoped3A : memref<!tpu.dma_semaphore, #tpu.memory_space<semaphore_mem>>)
          %dma_wait3A_137 = arith.constant 0 : i32
          %dma_wait3A_138 = tpu.memref_slice %arg7[%mul3A_64, %dma_wait3A_137] : memref<320000x16xf32, #tpu.memory_space<hbm>> -> memref<64x16xf32, #tpu.memory_space<hbm>>
          %dma_wait3A_139 = arith.constant 0 : i32
          %dma_wait3A_140 = tpu.memref_slice %arg7[%mul3A_64, %dma_wait3A_139] : memref<320000x16xf32, #tpu.memory_space<hbm>> -> memref<64x16xf32, #tpu.memory_space<hbm>>
          tpu.wait_dma2 semaphore(%run_scoped3A : memref<!tpu.dma_semaphore, #tpu.memory_space<semaphore_mem>>) src(%dma_wait3A_140 : memref<64x16xf32, #tpu.memory_space<hbm>>) dst(%arg20 : memref<64x16xf32, #tpu.memory_space<vmem>>)
          tpu.yield
        }) : () -> ()
        %dma_wait3A = arith.constant 0 : i32
        %dma_wait3A_119 = arith.constant 0 : i32
        %dma_wait3A_120 = tpu.memref_slice %arg2[%dma_wait3A, %dma_wait3A_119] : memref<40000x144xf32, #tpu.memory_space<hbm>> -> memref<40000x144xf32, #tpu.memory_space<hbm>>
        tpu.wait_indirect_dma semaphore(%arg22 : memref<!tpu.dma_semaphore, #tpu.memory_space<semaphore_mem>>) src(%dma_wait3A_120 : memref<40000x144xf32, #tpu.memory_space<hbm>>) dst(%arg17 : memref<64x144xf32, #tpu.memory_space<vmem>>)
        %dma_wait3A_121 = arith.constant 0 : i32
        %dma_wait3A_122 = arith.constant 0 : i32
        %dma_wait3A_123 = tpu.memref_slice %arg3[%dma_wait3A_121, %dma_wait3A_122] : memref<40000x128xf32, #tpu.memory_space<hbm>> -> memref<40000x128xf32, #tpu.memory_space<hbm>>
        tpu.wait_indirect_dma semaphore(%arg23 : memref<!tpu.dma_semaphore, #tpu.memory_space<semaphore_mem>>) src(%dma_wait3A_123 : memref<40000x128xf32, #tpu.memory_space<hbm>>) dst(%arg18 : memref<64x128xf32, #tpu.memory_space<vmem>>)
        %dma_wait3A_124 = arith.constant 0 : i32
        %dma_wait3A_125 = arith.constant 0 : i32
        %dma_wait3A_126 = tpu.memref_slice %arg4[%dma_wait3A_124, %dma_wait3A_125] : memref<40000x128xf32, #tpu.memory_space<hbm>> -> memref<40000x128xf32, #tpu.memory_space<hbm>>
        tpu.wait_indirect_dma semaphore(%arg24 : memref<!tpu.dma_semaphore, #tpu.memory_space<semaphore_mem>>) src(%dma_wait3A_126 : memref<40000x128xf32, #tpu.memory_space<hbm>>) dst(%arg19 : memref<64x128xf32, #tpu.memory_space<vmem>>)
        %scan3A_127 = arith.constant 0 : i32
        %scan3A_128 = arith.constant 0 : i32
        %scan3A_129 = arith.constant 64 : i32
        %scan3A_130 = arith.addi %scan3A_128, %scan3A_129 : i32
        %scan3A_131 = arith.constant 1 : i32
        scf.for %scan3A_133 = %scan3A_128 to %scan3A_130 step %scan3A_131  : i32 {
          %get3A_134 = arith.index_cast %scan3A_133 : i32 to index
          %get3A_135 = arith.constant 0 : index
          %get3A_136 = tpu.vector_load %arg17[%get3A_134, %get3A_135] {strides = array<i32>} : memref<64x144xf32, #tpu.memory_space<vmem>>, vector<16xf32>,
          %get3A_137 = arith.index_cast %scan3A_133 : i32 to index
          %get3A_138 = arith.constant 0 : index
          %get3A_139 = tpu.vector_load %arg18[%get3A_137, %get3A_138] {strides = array<i32>} : memref<64x128xf32, #tpu.memory_space<vmem>>, vector<16xf32>,
          %mul3A_140 = arith.mulf %get3A_136, %get3A_139 : vector<16xf32>
          %get3A_141 = arith.index_cast %scan3A_133 : i32 to index
          %get3A_142 = arith.constant 16 : index
          %get3A_143 = tpu.vector_load %arg17[%get3A_141, %get3A_142] {strides = array<i32>} : memref<64x144xf32, #tpu.memory_space<vmem>>, vector<16xf32>,
          %get3A_144 = arith.index_cast %scan3A_133 : i32 to index
          %get3A_145 = arith.constant 16 : index
          %get3A_146 = tpu.vector_load %arg18[%get3A_144, %get3A_145] {strides = array<i32>} : memref<64x128xf32, #tpu.memory_space<vmem>>, vector<16xf32>,
          %mul3A_147 = arith.mulf %get3A_143, %get3A_146 : vector<16xf32>
          %add3A_148 = arith.addf %mul3A_140, %mul3A_147 : vector<16xf32>
          %get3A_149 = arith.index_cast %scan3A_133 : i32 to index
          %get3A_150 = arith.constant 32 : index
          %get3A_151 = tpu.vector_load %arg17[%get3A_149, %get3A_150] {strides = array<i32>} : memref<64x144xf32, #tpu.memory_space<vmem>>, vector<16xf32>,
          %get3A_152 = arith.index_cast %scan3A_133 : i32 to index
          %get3A_153 = arith.constant 32 : index
          %get3A_154 = tpu.vector_load %arg18[%get3A_152, %get3A_153] {strides = array<i32>} : memref<64x128xf32, #tpu.memory_space<vmem>>, vector<16xf32>,
          %mul3A_155 = arith.mulf %get3A_151, %get3A_154 : vector<16xf32>
          %add3A_156 = arith.addf %add3A_148, %mul3A_155 : vector<16xf32>
          %get3A_157 = arith.index_cast %scan3A_133 : i32 to index
          %get3A_158 = arith.constant 48 : index
          %get3A_159 = tpu.vector_load %arg17[%get3A_157, %get3A_158] {strides = array<i32>} : memref<64x144xf32, #tpu.memory_space<vmem>>, vector<16xf32>,
          %get3A_160 = arith.index_cast %scan3A_133 : i32 to index
          %get3A_161 = arith.constant 48 : index
          %get3A_162 = tpu.vector_load %arg18[%get3A_160, %get3A_161] {strides = array<i32>} : memref<64x128xf32, #tpu.memory_space<vmem>>, vector<16xf32>,
          %mul3A_163 = arith.mulf %get3A_159, %get3A_162 : vector<16xf32>
          %add3A_164 = arith.addf %add3A_156, %mul3A_163 : vector<16xf32>
          %get3A_165 = arith.index_cast %scan3A_133 : i32 to index
          %get3A_166 = arith.constant 64 : index
          %get3A_167 = tpu.vector_load %arg17[%get3A_165, %get3A_166] {strides = array<i32>} : memref<64x144xf32, #tpu.memory_space<vmem>>, vector<16xf32>,
          %get3A_168 = arith.index_cast %scan3A_133 : i32 to index
          %get3A_169 = arith.constant 64 : index
          %get3A_170 = tpu.vector_load %arg18[%get3A_168, %get3A_169] {strides = array<i32>} : memref<64x128xf32, #tpu.memory_space<vmem>>, vector<16xf32>,
          %mul3A_171 = arith.mulf %get3A_167, %get3A_170 : vector<16xf32>
          %add3A_172 = arith.addf %add3A_164, %mul3A_171 : vector<16xf32>
          %get3A_173 = arith.index_cast %scan3A_133 : i32 to index
          %get3A_174 = arith.constant 80 : index
          %get3A_175 = tpu.vector_load %arg17[%get3A_173, %get3A_174] {strides = array<i32>} : memref<64x144xf32, #tpu.memory_space<vmem>>, vector<16xf32>,
          %get3A_176 = arith.index_cast %scan3A_133 : i32 to index
          %get3A_177 = arith.constant 80 : index
          %get3A_178 = tpu.vector_load %arg18[%get3A_176, %get3A_177] {strides = array<i32>} : memref<64x128xf32, #tpu.memory_space<vmem>>, vector<16xf32>,
          %mul3A_179 = arith.mulf %get3A_175, %get3A_178 : vector<16xf32>
          %add3A_180 = arith.addf %add3A_172, %mul3A_179 : vector<16xf32>
          %get3A_181 = arith.index_cast %scan3A_133 : i32 to index
          %get3A_182 = arith.constant 96 : index
          %get3A_183 = tpu.vector_load %arg17[%get3A_181, %get3A_182] {strides = array<i32>} : memref<64x144xf32, #tpu.memory_space<vmem>>, vector<16xf32>,
          %get3A_184 = arith.index_cast %scan3A_133 : i32 to index
          %get3A_185 = arith.constant 96 : index
          %get3A_186 = tpu.vector_load %arg18[%get3A_184, %get3A_185] {strides = array<i32>} : memref<64x128xf32, #tpu.memory_space<vmem>>, vector<16xf32>,
          %mul3A_187 = arith.mulf %get3A_183, %get3A_186 : vector<16xf32>
          %add3A_188 = arith.addf %add3A_180, %mul3A_187 : vector<16xf32>
          %get3A_189 = arith.index_cast %scan3A_133 : i32 to index
          %get3A_190 = arith.constant 112 : index
          %get3A_191 = tpu.vector_load %arg17[%get3A_189, %get3A_190] {strides = array<i32>} : memref<64x144xf32, #tpu.memory_space<vmem>>, vector<16xf32>,
          %get3A_192 = arith.index_cast %scan3A_133 : i32 to index
          %get3A_193 = arith.constant 112 : index
          %get3A_194 = tpu.vector_load %arg18[%get3A_192, %get3A_193] {strides = array<i32>} : memref<64x128xf32, #tpu.memory_space<vmem>>, vector<16xf32>,
          %mul3A_195 = arith.mulf %get3A_191, %get3A_194 : vector<16xf32>
          %add3A_196 = arith.addf %add3A_188, %mul3A_195 : vector<16xf32>
          %get3A_197 = arith.index_cast %scan3A_133 : i32 to index
          %get3A_198 = arith.constant 0 : index
          %get3A_199 = tpu.vector_load %arg20[%get3A_197, %get3A_198] {strides = array<i32>} : memref<64x16xf32, #tpu.memory_space<vmem>>, vector<16xf32>,
          %get3A_200 = arith.index_cast %scan3A_133 : i32 to index
          %get3A_201 = arith.constant 128 : index
          %get3A_202 = tpu.vector_load %arg17[%get3A_200, %get3A_201] {strides = array<i32>} : memref<64x144xf32, #tpu.memory_space<vmem>>, vector<16xf32>,
          %mul3A_203 = arith.mulf %get3A_202, %get3A_199 : vector<16xf32>
          %add3A_204 = arith.addf %add3A_196, %mul3A_203 : vector<16xf32>
          %reduce_sum3A = arith.constant true
          %reduce_sum3A_205 = vector.broadcast %reduce_sum3A : i1 to vector<16xi1>
          %reduce_sum3A_206 = tpu.scan <sum>, %add3A_204 masked %reduce_sum3A_205 : vector<16xf32>, vector<16xi1> -> vector<16xf32>
          %reduce_sum3A_207 = vector.extract %reduce_sum3A_206[15] : f32 from vector<16xf32>
          %broadcast_in_dim3A_208 = vector.broadcast %reduce_sum3A_207 : f32 to vector<16xf32>
          %exp3A = math.exp %broadcast_in_dim3A_208 : vector<16xf32>
          %get3A_209 = arith.index_cast %scan3A_133 : i32 to index
          %get3A_210 = arith.constant 0 : index
          %get3A_211 = tpu.vector_load %arg19[%get3A_209, %get3A_210] {strides = array<i32>} : memref<64x128xf32, #tpu.memory_space<vmem>>, vector<16xf32>,
          %mul3A_212 = arith.mulf %exp3A, %get3A_211 : vector<16xf32>
          %swap3A_213 = arith.index_cast %scan3A_133 : i32 to index
          %swap3A_214 = arith.constant 0 : index
          %swap3A_215 = tpu.vector_load %arg19[%swap3A_213, %swap3A_214] {strides = array<i32>} : memref<64x128xf32, #tpu.memory_space<vmem>>, vector<16xf32>,
          tpu.vector_store %arg19[%swap3A_213, %swap3A_214], %mul3A_212 {strides = array<i32>} : memref<64x128xf32, #tpu.memory_space<vmem>>, vector<16xf32>,
          %get3A_216 = arith.index_cast %scan3A_133 : i32 to index
          %get3A_217 = arith.constant 16 : index
          %get3A_218 = tpu.vector_load %arg19[%get3A_216, %get3A_217] {strides = array<i32>} : memref<64x128xf32, #tpu.memory_space<vmem>>, vector<16xf32>,
          %mul3A_219 = arith.mulf %exp3A, %get3A_218 : vector<16xf32>
          %swap3A_220 = arith.index_cast %scan3A_133 : i32 to index
          %swap3A_221 = arith.constant 16 : index
          %swap3A_222 = tpu.vector_load %arg19[%swap3A_220, %swap3A_221] {strides = array<i32>} : memref<64x128xf32, #tpu.memory_space<vmem>>, vector<16xf32>,
          tpu.vector_store %arg19[%swap3A_220, %swap3A_221], %mul3A_219 {strides = array<i32>} : memref<64x128xf32, #tpu.memory_space<vmem>>, vector<16xf32>,
          %get3A_223 = arith.index_cast %scan3A_133 : i32 to index
          %get3A_224 = arith.constant 32 : index
          %get3A_225 = tpu.vector_load %arg19[%get3A_223, %get3A_224] {strides = array<i32>} : memref<64x128xf32, #tpu.memory_space<vmem>>, vector<16xf32>,
          %mul3A_226 = arith.mulf %exp3A, %get3A_225 : vector<16xf32>
          %swap3A_227 = arith.index_cast %scan3A_133 : i32 to index
          %swap3A_228 = arith.constant 32 : index
          %swap3A_229 = tpu.vector_load %arg19[%swap3A_227, %swap3A_228] {strides = array<i32>} : memref<64x128xf32, #tpu.memory_space<vmem>>, vector<16xf32>,
          tpu.vector_store %arg19[%swap3A_227, %swap3A_228], %mul3A_226 {strides = array<i32>} : memref<64x128xf32, #tpu.memory_space<vmem>>, vector<16xf32>,
          %get3A_230 = arith.index_cast %scan3A_133 : i32 to index
          %get3A_231 = arith.constant 48 : index
          %get3A_232 = tpu.vector_load %arg19[%get3A_230, %get3A_231] {strides = array<i32>} : memref<64x128xf32, #tpu.memory_space<vmem>>, vector<16xf32>,
          %mul3A_233 = arith.mulf %exp3A, %get3A_232 : vector<16xf32>
          %swap3A_234 = arith.index_cast %scan3A_133 : i32 to index
          %swap3A_235 = arith.constant 48 : index
          %swap3A_236 = tpu.vector_load %arg19[%swap3A_234, %swap3A_235] {strides = array<i32>} : memref<64x128xf32, #tpu.memory_space<vmem>>, vector<16xf32>,
          tpu.vector_store %arg19[%swap3A_234, %swap3A_235], %mul3A_233 {strides = array<i32>} : memref<64x128xf32, #tpu.memory_space<vmem>>, vector<16xf32>,
          %get3A_237 = arith.index_cast %scan3A_133 : i32 to index
          %get3A_238 = arith.constant 64 : index
          %get3A_239 = tpu.vector_load %arg19[%get3A_237, %get3A_238] {strides = array<i32>} : memref<64x128xf32, #tpu.memory_space<vmem>>, vector<16xf32>,
          %mul3A_240 = arith.mulf %exp3A, %get3A_239 : vector<16xf32>
          %swap3A_241 = arith.index_cast %scan3A_133 : i32 to index
          %swap3A_242 = arith.constant 64 : index
          %swap3A_243 = tpu.vector_load %arg19[%swap3A_241, %swap3A_242] {strides = array<i32>} : memref<64x128xf32, #tpu.memory_space<vmem>>, vector<16xf32>,
          tpu.vector_store %arg19[%swap3A_241, %swap3A_242], %mul3A_240 {strides = array<i32>} : memref<64x128xf32, #tpu.memory_space<vmem>>, vector<16xf32>,
          %get3A_244 = arith.index_cast %scan3A_133 : i32 to index
          %get3A_245 = arith.constant 80 : index
          %get3A_246 = tpu.vector_load %arg19[%get3A_244, %get3A_245] {strides = array<i32>} : memref<64x128xf32, #tpu.memory_space<vmem>>, vector<16xf32>,
          %mul3A_247 = arith.mulf %exp3A, %get3A_246 : vector<16xf32>
          %swap3A_248 = arith.index_cast %scan3A_133 : i32 to index
          %swap3A_249 = arith.constant 80 : index
          %swap3A_250 = tpu.vector_load %arg19[%swap3A_248, %swap3A_249] {strides = array<i32>} : memref<64x128xf32, #tpu.memory_space<vmem>>, vector<16xf32>,
          tpu.vector_store %arg19[%swap3A_248, %swap3A_249], %mul3A_247 {strides = array<i32>} : memref<64x128xf32, #tpu.memory_space<vmem>>, vector<16xf32>,
          %get3A_251 = arith.index_cast %scan3A_133 : i32 to index
          %get3A_252 = arith.constant 96 : index
          %get3A_253 = tpu.vector_load %arg19[%get3A_251, %get3A_252] {strides = array<i32>} : memref<64x128xf32, #tpu.memory_space<vmem>>, vector<16xf32>,
          %mul3A_254 = arith.mulf %exp3A, %get3A_253 : vector<16xf32>
          %swap3A_255 = arith.index_cast %scan3A_133 : i32 to index
          %swap3A_256 = arith.constant 96 : index
          %swap3A_257 = tpu.vector_load %arg19[%swap3A_255, %swap3A_256] {strides = array<i32>} : memref<64x128xf32, #tpu.memory_space<vmem>>, vector<16xf32>,
          tpu.vector_store %arg19[%swap3A_255, %swap3A_256], %mul3A_254 {strides = array<i32>} : memref<64x128xf32, #tpu.memory_space<vmem>>, vector<16xf32>,
          %get3A_258 = arith.index_cast %scan3A_133 : i32 to index
          %get3A_259 = arith.constant 112 : index
          %get3A_260 = tpu.vector_load %arg19[%get3A_258, %get3A_259] {strides = array<i32>} : memref<64x128xf32, #tpu.memory_space<vmem>>, vector<16xf32>,
          %mul3A_261 = arith.mulf %exp3A, %get3A_260 : vector<16xf32>
          %swap3A_262 = arith.index_cast %scan3A_133 : i32 to index
          %swap3A_263 = arith.constant 112 : index
          %swap3A_264 = tpu.vector_load %arg19[%swap3A_262, %swap3A_263] {strides = array<i32>} : memref<64x128xf32, #tpu.memory_space<vmem>>, vector<16xf32>,
          tpu.vector_store %arg19[%swap3A_262, %swap3A_263], %mul3A_261 {strides = array<i32>} : memref<64x128xf32, #tpu.memory_space<vmem>>, vector<16xf32>,
          %mul3A_265 = arith.mulf %exp3A, %get3A_199 : vector<16xf32>
          %swap3A_266 = arith.index_cast %scan3A_133 : i32 to index
          %swap3A_267 = arith.constant 0 : index
          %swap3A_268 = tpu.vector_load %arg21[%swap3A_266, %swap3A_267] {strides = array<i32>} : memref<64x32xf32, #tpu.memory_space<vmem>>, vector<16xf32>,
          tpu.vector_store %arg21[%swap3A_266, %swap3A_267], %mul3A_265 {strides = array<i32>} : memref<64x32xf32, #tpu.memory_space<vmem>>, vector<16xf32>,
          %select_n3A = arith.select %eq3A_1, %exp3A, %broadcast_in_dim3A_2 : vector<16xi1>, vector<16xf32>
          %swap3A_269 = arith.index_cast %scan3A_133 : i32 to index
          %swap3A_270 = arith.constant 16 : index
          %swap3A_271 = tpu.vector_load %arg21[%swap3A_269, %swap3A_270] {strides = array<i32>} : memref<64x32xf32, #tpu.memory_space<vmem>>, vector<16xf32>,
          tpu.vector_store %arg21[%swap3A_269, %swap3A_270], %select_n3A {strides = array<i32>} : memref<64x32xf32, #tpu.memory_space<vmem>>, vector<16xf32>,
        }
        %scan3A_132 = arith.constant 64 : i32
        "tpu.region"() ({
          %run_scoped3A = tpu.sem_alloc : memref<!tpu.dma_semaphore, #tpu.memory_space<semaphore_mem>>
          %dma_start3A_133 = arith.constant 0 : i32
          %dma_start3A_134 = arith.constant 0 : i32
          %dma_start3A_135 = tpu.memref_slice %arg12[%dma_start3A_133, %dma_start3A_134] : memref<10000x128xf32, #tpu.memory_space<vmem_shared>> -> memref<10000x128xf32, #tpu.memory_space<vmem_shared>>
          tpu.enqueue_indirect_dma source(%arg19 : memref<64x128xf32, #tpu.memory_space<vmem>>) target(%dma_start3A_135 : memref<10000x128xf32, #tpu.memory_space<vmem_shared>>) offsets(%arg15 : memref<64xi32, #tpu.memory_space<vmem>>) semaphore(%run_scoped3A : memref<!tpu.dma_semaphore, #tpu.memory_space<semaphore_mem>>) {add = true}
          %dma_wait3A_136 = arith.constant 0 : i32
          %dma_wait3A_137 = arith.constant 0 : i32
          %dma_wait3A_138 = tpu.memref_slice %arg12[%dma_wait3A_136, %dma_wait3A_137] : memref<10000x128xf32, #tpu.memory_space<vmem_shared>> -> memref<10000x128xf32, #tpu.memory_space<vmem_shared>>
          tpu.wait_indirect_dma semaphore(%run_scoped3A : memref<!tpu.dma_semaphore, #tpu.memory_space<semaphore_mem>>) src(%arg19 : memref<64x128xf32, #tpu.memory_space<vmem>>) dst(%dma_wait3A_138 : memref<10000x128xf32, #tpu.memory_space<vmem_shared>>)
          tpu.yield
        }) : () -> ()
        "tpu.region"() ({
          %run_scoped3A = tpu.sem_alloc : memref<!tpu.dma_semaphore, #tpu.memory_space<semaphore_mem>>
          %dma_start3A_133 = arith.constant 0 : i32
          %dma_start3A_134 = arith.constant 0 : i32
          %dma_start3A_135 = tpu.memref_slice %arg13[%dma_start3A_133, %dma_start3A_134] : memref<10000x32xf32, #tpu.memory_space<vmem_shared>> -> memref<10000x32xf32, #tpu.memory_space<vmem_shared>>
          tpu.enqueue_indirect_dma source(%arg21 : memref<64x32xf32, #tpu.memory_space<vmem>>) target(%dma_start3A_135 : memref<10000x32xf32, #tpu.memory_space<vmem_shared>>) offsets(%arg15 : memref<64xi32, #tpu.memory_space<vmem>>) semaphore(%run_scoped3A : memref<!tpu.dma_semaphore, #tpu.memory_space<semaphore_mem>>) {add = true}
          %dma_wait3A_136 = arith.constant 0 : i32
          %dma_wait3A_137 = arith.constant 0 : i32
          %dma_wait3A_138 = tpu.memref_slice %arg13[%dma_wait3A_136, %dma_wait3A_137] : memref<10000x32xf32, #tpu.memory_space<vmem_shared>> -> memref<10000x32xf32, #tpu.memory_space<vmem_shared>>
          tpu.wait_indirect_dma semaphore(%run_scoped3A : memref<!tpu.dma_semaphore, #tpu.memory_space<semaphore_mem>>) src(%arg21 : memref<64x32xf32, #tpu.memory_space<vmem>>) dst(%dma_wait3A_138 : memref<10000x32xf32, #tpu.memory_space<vmem_shared>>)
          tpu.yield
        }) : () -> ()
      } else {
      }
    }
    %scan3A_44 = arith.constant 313 : i32
    %barrier3A_45 = arith.constant 0 : index
    tpu.barrier barrier_id(%barrier3A_45)
    %mul3A_46 = arith.constant 625 : i32
    %mul3A_47 = arith.muli %arg1, %mul3A_46 : i32
    %mul3A_48 = arith.constant 625 : i32
    %mul3A_49 = arith.muli %arg1, %mul3A_48 : i32
    %add3A_50 = arith.addi %mul3A_33, %mul3A_49 : i32
    "tpu.region"() ({
      %run_scoped3A = tpu.sem_alloc : memref<!tpu.dma_semaphore, #tpu.memory_space<semaphore_mem>>
      %dma_start3A = arith.constant 0 : i32
      %dma_start3A_57 = tpu.memref_slice %arg10[%add3A_50, %dma_start3A] : memref<40000x128xf32, #tpu.memory_space<hbm>> -> memref<625x128xf32, #tpu.memory_space<hbm>>
      %dma_start3A_58 = arith.constant 0 : i32
      %dma_start3A_59 = tpu.memref_slice %arg12[%mul3A_47, %dma_start3A_58] : memref<10000x128xf32, #tpu.memory_space<vmem_shared>> -> memref<625x128xf32, #tpu.memory_space<vmem_shared>>
      tpu.enqueue_dma source(%dma_start3A_59 : memref<625x128xf32, #tpu.memory_space<vmem_shared>>) target(%dma_start3A_57 : memref<625x128xf32, #tpu.memory_space<hbm>>) target_semaphore(%run_scoped3A : memref<!tpu.dma_semaphore, #tpu.memory_space<semaphore_mem>>)
      %dma_wait3A = arith.constant 0 : i32
      %dma_wait3A_60 = tpu.memref_slice %arg10[%add3A_50, %dma_wait3A] : memref<40000x128xf32, #tpu.memory_space<hbm>> -> memref<625x128xf32, #tpu.memory_space<hbm>>
      %dma_wait3A_61 = arith.constant 0 : i32
      %dma_wait3A_62 = tpu.memref_slice %arg12[%mul3A_47, %dma_wait3A_61] : memref<10000x128xf32, #tpu.memory_space<vmem_shared>> -> memref<625x128xf32, #tpu.memory_space<vmem_shared>>
      tpu.wait_dma2 semaphore(%run_scoped3A : memref<!tpu.dma_semaphore, #tpu.memory_space<semaphore_mem>>) src(%dma_wait3A_62 : memref<625x128xf32, #tpu.memory_space<vmem_shared>>) dst(%dma_wait3A_60 : memref<625x128xf32, #tpu.memory_space<hbm>>)
      tpu.yield
    }) : () -> ()
    %mul3A_51 = arith.constant 625 : i32
    %mul3A_52 = arith.muli %arg1, %mul3A_51 : i32
    %mul3A_53 = arith.constant 625 : i32
    %mul3A_54 = arith.muli %arg1, %mul3A_53 : i32
    %add3A_55 = arith.addi %mul3A_33, %mul3A_54 : i32
    "tpu.region"() ({
      %run_scoped3A = tpu.sem_alloc : memref<!tpu.dma_semaphore, #tpu.memory_space<semaphore_mem>>
      %dma_start3A = arith.constant 0 : i32
      %dma_start3A_57 = tpu.memref_slice %arg11[%add3A_55, %dma_start3A] : memref<40000x32xf32, #tpu.memory_space<hbm>> -> memref<625x32xf32, #tpu.memory_space<hbm>>
      %dma_start3A_58 = arith.constant 0 : i32
      %dma_start3A_59 = tpu.memref_slice %arg13[%mul3A_52, %dma_start3A_58] : memref<10000x32xf32, #tpu.memory_space<vmem_shared>> -> memref<625x32xf32, #tpu.memory_space<vmem_shared>>
      tpu.enqueue_dma source(%dma_start3A_59 : memref<625x32xf32, #tpu.memory_space<vmem_shared>>) target(%dma_start3A_57 : memref<625x32xf32, #tpu.memory_space<hbm>>) target_semaphore(%run_scoped3A : memref<!tpu.dma_semaphore, #tpu.memory_space<semaphore_mem>>)
      %dma_wait3A = arith.constant 0 : i32
      %dma_wait3A_60 = tpu.memref_slice %arg11[%add3A_55, %dma_wait3A] : memref<40000x32xf32, #tpu.memory_space<hbm>> -> memref<625x32xf32, #tpu.memory_space<hbm>>
      %dma_wait3A_61 = arith.constant 0 : i32
      %dma_wait3A_62 = tpu.memref_slice %arg13[%mul3A_52, %dma_wait3A_61] : memref<10000x32xf32, #tpu.memory_space<vmem_shared>> -> memref<625x32xf32, #tpu.memory_space<vmem_shared>>
      tpu.wait_dma2 semaphore(%run_scoped3A : memref<!tpu.dma_semaphore, #tpu.memory_space<semaphore_mem>>) src(%dma_wait3A_62 : memref<625x32xf32, #tpu.memory_space<vmem_shared>>) dst(%dma_wait3A_60 : memref<625x32xf32, #tpu.memory_space<hbm>>)
      tpu.yield
    }) : () -> ()
    %barrier3A_56 = arith.constant 0 : index
    tpu.barrier barrier_id(%barrier3A_56)
    return
  }
}

module attributes {stable_mosaic.version = 14 : i64} {
  func.func @_proj_body(%arg0: i32, %arg1: memref<1000x128xf32, #tpu.memory_space<vmem>>, %arg2: memref<128x512xf32, #tpu.memory_space<vmem>>, %arg3: memref<1x512xf32, #tpu.memory_space<vmem>>, %arg4: memref<128x512xf32, #tpu.memory_space<vmem>>, %arg5: memref<1x512xf32, #tpu.memory_space<vmem>>, %arg6: memref<128x512xf32, #tpu.memory_space<vmem>>, %arg7: memref<1x512xf32, #tpu.memory_space<vmem>>, %arg8: memref<512x16xf32, #tpu.memory_space<vmem>>, %arg9: memref<1x512xf32, #tpu.memory_space<vmem>>, %arg10: memref<4x1000x144xf32, #tpu.memory_space<vmem>>, %arg11: memref<4x1000x128xf32, #tpu.memory_space<vmem>>, %arg12: memref<4x1000x128xf32, #tpu.memory_space<vmem>>) attributes {dimension_semantics = [#tpu.dimension_semantics<arbitrary>], iteration_bounds = array<i64: 10>, scalar_prefetch = 0 : i64, scratch_operands = 0 : i64, tpu.core_type = #tpu.core_type<tc>, window_params = [{transform_indices = @transform_0, window_bounds = array<i64: 1000, 128>}, {pipeline_mode = #tpu.pipeline_mode<synchronous>, transform_indices = @transform_1, window_bounds = array<i64: 128, 512>}, {pipeline_mode = #tpu.pipeline_mode<synchronous>, transform_indices = @transform_2, window_bounds = array<i64: 1, 512>}, {pipeline_mode = #tpu.pipeline_mode<synchronous>, transform_indices = @transform_3, window_bounds = array<i64: 128, 512>}, {pipeline_mode = #tpu.pipeline_mode<synchronous>, transform_indices = @transform_4, window_bounds = array<i64: 1, 512>}, {pipeline_mode = #tpu.pipeline_mode<synchronous>, transform_indices = @transform_5, window_bounds = array<i64: 128, 512>}, {pipeline_mode = #tpu.pipeline_mode<synchronous>, transform_indices = @transform_6, window_bounds = array<i64: 1, 512>}, {pipeline_mode = #tpu.pipeline_mode<synchronous>, transform_indices = @transform_7, window_bounds = array<i64: 512, 16>}, {pipeline_mode = #tpu.pipeline_mode<synchronous>, transform_indices = @transform_8, window_bounds = array<i64: 1, 512>}, {transform_indices = @transform_9, window_bounds = array<i64: 4, 1000, 144>}, {transform_indices = @transform_10, window_bounds = array<i64: 4, 1000, 128>}, {transform_indices = @transform_11, window_bounds = array<i64: 4, 1000, 128>}]} {
    %get3A = arith.constant 0 : index
    %get3A_0 = arith.constant 0 : index
    %get3A_1 = vector.load %arg1[%get3A, %get3A_0] : memref<1000x128xf32, #tpu.memory_space<vmem>>, vector<1000x128xf32>
    %get3A_2 = arith.constant 0 : index
    %get3A_3 = arith.constant 0 : index
    %get3A_4 = vector.load %arg2[%get3A_2, %get3A_3] : memref<128x512xf32, #tpu.memory_space<vmem>>, vector<128x128xf32>
    %dot_general3A = arith.constant dense<0.000000e+00> : vector<1000x128xf32>
    %dot_general3A_5 = tpu.matmul %get3A_1, %get3A_4, %dot_general3A {dimension_numbers = #tpu.dot_dimension_numbers<[1], [0], [0], [1], [0, 0, 1, 1], [], []>, transpose_lhs_hint = false} : vector<1000x128xf32>, vector<128x128xf32>, vector<1000x128xf32> -> vector<1000x128xf32>
    %get3A_6 = arith.constant 0 : index
    %get3A_7 = arith.constant 0 : index
    %get3A_8 = vector.load %arg3[%get3A_6, %get3A_7] : memref<1x512xf32, #tpu.memory_space<vmem>>, vector<1x128xf32>
    %add3A = vector.broadcast %get3A_8 : vector<1x128xf32> to vector<1000x128xf32>
    %add3A_9 = arith.addf %dot_general3A_5, %add3A : vector<1000x128xf32>
    %mul3A = arith.constant 0.0883883461 : f32
    %mul3A_10 = vector.broadcast %mul3A : f32 to vector<1000x128xf32>
    %mul3A_11 = arith.mulf %add3A_9, %mul3A_10 : vector<1000x128xf32>
    %get3A_12 = arith.constant 0 : index
    %get3A_13 = arith.constant 0 : index
    %get3A_14 = vector.load %arg8[%get3A_12, %get3A_13] : memref<512x16xf32, #tpu.memory_space<vmem>>, vector<128x16xf32>
    %dot_general3A_15 = arith.constant dense<0.000000e+00> : vector<1000x16xf32>
    %dot_general3A_16 = tpu.matmul %mul3A_11, %get3A_14, %dot_general3A_15 {dimension_numbers = #tpu.dot_dimension_numbers<[1], [0], [0], [1], [0, 0, 1, 1], [], []>, transpose_lhs_hint = false} : vector<1000x128xf32>, vector<128x16xf32>, vector<1000x16xf32> -> vector<1000x16xf32>
    %concatenate3A = tpu.concatenate %mul3A_11, %dot_general3A_16 in 1 : vector<1000x128xf32>, vector<1000x16xf32> -> vector<1000x144xf32>
    %broadcast_in_dim3A = vector.shape_cast %concatenate3A : vector<1000x144xf32> to vector<1x1000x144xf32>
    %get3A_17 = arith.constant 0 : index
    %get3A_18 = arith.constant 0 : index
    %get3A_19 = vector.load %arg4[%get3A_17, %get3A_18] : memref<128x512xf32, #tpu.memory_space<vmem>>, vector<128x128xf32>
    %dot_general3A_20 = arith.constant dense<0.000000e+00> : vector<1000x128xf32>
    %dot_general3A_21 = tpu.matmul %get3A_1, %get3A_19, %dot_general3A_20 {dimension_numbers = #tpu.dot_dimension_numbers<[1], [0], [0], [1], [0, 0, 1, 1], [], []>, transpose_lhs_hint = false} : vector<1000x128xf32>, vector<128x128xf32>, vector<1000x128xf32> -> vector<1000x128xf32>
    %get3A_22 = arith.constant 0 : index
    %get3A_23 = arith.constant 0 : index
    %get3A_24 = vector.load %arg5[%get3A_22, %get3A_23] : memref<1x512xf32, #tpu.memory_space<vmem>>, vector<1x128xf32>
    %add3A_25 = vector.broadcast %get3A_24 : vector<1x128xf32> to vector<1000x128xf32>
    %add3A_26 = arith.addf %dot_general3A_21, %add3A_25 : vector<1000x128xf32>
    %get3A_27 = arith.constant 0 : index
    %get3A_28 = arith.constant 0 : index
    %get3A_29 = vector.load %arg9[%get3A_27, %get3A_28] : memref<1x512xf32, #tpu.memory_space<vmem>>, vector<1x128xf32>
    %add3A_30 = vector.broadcast %get3A_29 : vector<1x128xf32> to vector<1000x128xf32>
    %add3A_31 = arith.addf %add3A_26, %add3A_30 : vector<1000x128xf32>
    %broadcast_in_dim3A_32 = vector.shape_cast %add3A_31 : vector<1000x128xf32> to vector<1x1000x128xf32>
    %get3A_33 = arith.constant 0 : index
    %get3A_34 = arith.constant 0 : index
    %get3A_35 = vector.load %arg6[%get3A_33, %get3A_34] : memref<128x512xf32, #tpu.memory_space<vmem>>, vector<128x128xf32>
    %dot_general3A_36 = arith.constant dense<0.000000e+00> : vector<1000x128xf32>
    %dot_general3A_37 = tpu.matmul %get3A_1, %get3A_35, %dot_general3A_36 {dimension_numbers = #tpu.dot_dimension_numbers<[1], [0], [0], [1], [0, 0, 1, 1], [], []>, transpose_lhs_hint = false} : vector<1000x128xf32>, vector<128x128xf32>, vector<1000x128xf32> -> vector<1000x128xf32>
    %get3A_38 = arith.constant 0 : index
    %get3A_39 = arith.constant 0 : index
    %get3A_40 = vector.load %arg7[%get3A_38, %get3A_39] : memref<1x512xf32, #tpu.memory_space<vmem>>, vector<1x128xf32>
    %add3A_41 = vector.broadcast %get3A_40 : vector<1x128xf32> to vector<1000x128xf32>
    %add3A_42 = arith.addf %dot_general3A_37, %add3A_41 : vector<1000x128xf32>
    %get3A_43 = arith.constant 0 : index
    %get3A_44 = arith.constant 0 : index
    %get3A_45 = vector.load %arg9[%get3A_43, %get3A_44] : memref<1x512xf32, #tpu.memory_space<vmem>>, vector<1x128xf32>
    %add3A_46 = vector.broadcast %get3A_45 : vector<1x128xf32> to vector<1000x128xf32>
    %add3A_47 = arith.addf %add3A_42, %add3A_46 : vector<1000x128xf32>
    %broadcast_in_dim3A_48 = vector.shape_cast %add3A_47 : vector<1000x128xf32> to vector<1x1000x128xf32>
    %get3A_49 = arith.constant 0 : index
    %get3A_50 = arith.constant 128 : index
    %get3A_51 = vector.load %arg2[%get3A_49, %get3A_50] : memref<128x512xf32, #tpu.memory_space<vmem>>, vector<128x128xf32>
    %dot_general3A_52 = arith.constant dense<0.000000e+00> : vector<1000x128xf32>
    %dot_general3A_53 = tpu.matmul %get3A_1, %get3A_51, %dot_general3A_52 {dimension_numbers = #tpu.dot_dimension_numbers<[1], [0], [0], [1], [0, 0, 1, 1], [], []>, transpose_lhs_hint = false} : vector<1000x128xf32>, vector<128x128xf32>, vector<1000x128xf32> -> vector<1000x128xf32>
    %get3A_54 = arith.constant 0 : index
    %get3A_55 = arith.constant 128 : index
    %get3A_56 = vector.load %arg3[%get3A_54, %get3A_55] : memref<1x512xf32, #tpu.memory_space<vmem>>, vector<1x128xf32>
    %add3A_57 = vector.broadcast %get3A_56 : vector<1x128xf32> to vector<1000x128xf32>
    %add3A_58 = arith.addf %dot_general3A_53, %add3A_57 : vector<1000x128xf32>
    %mul3A_59 = arith.constant 0.0883883461 : f32
    %mul3A_60 = vector.broadcast %mul3A_59 : f32 to vector<1000x128xf32>
    %mul3A_61 = arith.mulf %add3A_58, %mul3A_60 : vector<1000x128xf32>
    %get3A_62 = arith.constant 128 : index
    %get3A_63 = arith.constant 0 : index
    %get3A_64 = vector.load %arg8[%get3A_62, %get3A_63] : memref<512x16xf32, #tpu.memory_space<vmem>>, vector<128x16xf32>
    %dot_general3A_65 = arith.constant dense<0.000000e+00> : vector<1000x16xf32>
    %dot_general3A_66 = tpu.matmul %mul3A_61, %get3A_64, %dot_general3A_65 {dimension_numbers = #tpu.dot_dimension_numbers<[1], [0], [0], [1], [0, 0, 1, 1], [], []>, transpose_lhs_hint = false} : vector<1000x128xf32>, vector<128x16xf32>, vector<1000x16xf32> -> vector<1000x16xf32>
    %concatenate3A_67 = tpu.concatenate %mul3A_61, %dot_general3A_66 in 1 : vector<1000x128xf32>, vector<1000x16xf32> -> vector<1000x144xf32>
    %broadcast_in_dim3A_68 = vector.shape_cast %concatenate3A_67 : vector<1000x144xf32> to vector<1x1000x144xf32>
    %get3A_69 = arith.constant 0 : index
    %get3A_70 = arith.constant 128 : index
    %get3A_71 = vector.load %arg4[%get3A_69, %get3A_70] : memref<128x512xf32, #tpu.memory_space<vmem>>, vector<128x128xf32>
    %dot_general3A_72 = arith.constant dense<0.000000e+00> : vector<1000x128xf32>
    %dot_general3A_73 = tpu.matmul %get3A_1, %get3A_71, %dot_general3A_72 {dimension_numbers = #tpu.dot_dimension_numbers<[1], [0], [0], [1], [0, 0, 1, 1], [], []>, transpose_lhs_hint = false} : vector<1000x128xf32>, vector<128x128xf32>, vector<1000x128xf32> -> vector<1000x128xf32>
    %get3A_74 = arith.constant 0 : index
    %get3A_75 = arith.constant 128 : index
    %get3A_76 = vector.load %arg5[%get3A_74, %get3A_75] : memref<1x512xf32, #tpu.memory_space<vmem>>, vector<1x128xf32>
    %add3A_77 = vector.broadcast %get3A_76 : vector<1x128xf32> to vector<1000x128xf32>
    %add3A_78 = arith.addf %dot_general3A_73, %add3A_77 : vector<1000x128xf32>
    %get3A_79 = arith.constant 0 : index
    %get3A_80 = arith.constant 128 : index
    %get3A_81 = vector.load %arg9[%get3A_79, %get3A_80] : memref<1x512xf32, #tpu.memory_space<vmem>>, vector<1x128xf32>
    %add3A_82 = vector.broadcast %get3A_81 : vector<1x128xf32> to vector<1000x128xf32>
    %add3A_83 = arith.addf %add3A_78, %add3A_82 : vector<1000x128xf32>
    %broadcast_in_dim3A_84 = vector.shape_cast %add3A_83 : vector<1000x128xf32> to vector<1x1000x128xf32>
    %get3A_85 = arith.constant 0 : index
    %get3A_86 = arith.constant 128 : index
    %get3A_87 = vector.load %arg6[%get3A_85, %get3A_86] : memref<128x512xf32, #tpu.memory_space<vmem>>, vector<128x128xf32>
    %dot_general3A_88 = arith.constant dense<0.000000e+00> : vector<1000x128xf32>
    %dot_general3A_89 = tpu.matmul %get3A_1, %get3A_87, %dot_general3A_88 {dimension_numbers = #tpu.dot_dimension_numbers<[1], [0], [0], [1], [0, 0, 1, 1], [], []>, transpose_lhs_hint = false} : vector<1000x128xf32>, vector<128x128xf32>, vector<1000x128xf32> -> vector<1000x128xf32>
    %get3A_90 = arith.constant 0 : index
    %get3A_91 = arith.constant 128 : index
    %get3A_92 = vector.load %arg7[%get3A_90, %get3A_91] : memref<1x512xf32, #tpu.memory_space<vmem>>, vector<1x128xf32>
    %add3A_93 = vector.broadcast %get3A_92 : vector<1x128xf32> to vector<1000x128xf32>
    %add3A_94 = arith.addf %dot_general3A_89, %add3A_93 : vector<1000x128xf32>
    %get3A_95 = arith.constant 0 : index
    %get3A_96 = arith.constant 128 : index
    %get3A_97 = vector.load %arg9[%get3A_95, %get3A_96] : memref<1x512xf32, #tpu.memory_space<vmem>>, vector<1x128xf32>
    %add3A_98 = vector.broadcast %get3A_97 : vector<1x128xf32> to vector<1000x128xf32>
    %add3A_99 = arith.addf %add3A_94, %add3A_98 : vector<1000x128xf32>
    %broadcast_in_dim3A_100 = vector.shape_cast %add3A_99 : vector<1000x128xf32> to vector<1x1000x128xf32>
    %get3A_101 = arith.constant 0 : index
    %get3A_102 = arith.constant 256 : index
    %get3A_103 = vector.load %arg2[%get3A_101, %get3A_102] : memref<128x512xf32, #tpu.memory_space<vmem>>, vector<128x128xf32>
    %dot_general3A_104 = arith.constant dense<0.000000e+00> : vector<1000x128xf32>
    %dot_general3A_105 = tpu.matmul %get3A_1, %get3A_103, %dot_general3A_104 {dimension_numbers = #tpu.dot_dimension_numbers<[1], [0], [0], [1], [0, 0, 1, 1], [], []>, transpose_lhs_hint = false} : vector<1000x128xf32>, vector<128x128xf32>, vector<1000x128xf32> -> vector<1000x128xf32>
    %get3A_106 = arith.constant 0 : index
    %get3A_107 = arith.constant 256 : index
    %get3A_108 = vector.load %arg3[%get3A_106, %get3A_107] : memref<1x512xf32, #tpu.memory_space<vmem>>, vector<1x128xf32>
    %add3A_109 = vector.broadcast %get3A_108 : vector<1x128xf32> to vector<1000x128xf32>
    %add3A_110 = arith.addf %dot_general3A_105, %add3A_109 : vector<1000x128xf32>
    %mul3A_111 = arith.constant 0.0883883461 : f32
    %mul3A_112 = vector.broadcast %mul3A_111 : f32 to vector<1000x128xf32>
    %mul3A_113 = arith.mulf %add3A_110, %mul3A_112 : vector<1000x128xf32>
    %get3A_114 = arith.constant 256 : index
    %get3A_115 = arith.constant 0 : index
    %get3A_116 = vector.load %arg8[%get3A_114, %get3A_115] : memref<512x16xf32, #tpu.memory_space<vmem>>, vector<128x16xf32>
    %dot_general3A_117 = arith.constant dense<0.000000e+00> : vector<1000x16xf32>
    %dot_general3A_118 = tpu.matmul %mul3A_113, %get3A_116, %dot_general3A_117 {dimension_numbers = #tpu.dot_dimension_numbers<[1], [0], [0], [1], [0, 0, 1, 1], [], []>, transpose_lhs_hint = false} : vector<1000x128xf32>, vector<128x16xf32>, vector<1000x16xf32> -> vector<1000x16xf32>
    %concatenate3A_119 = tpu.concatenate %mul3A_113, %dot_general3A_118 in 1 : vector<1000x128xf32>, vector<1000x16xf32> -> vector<1000x144xf32>
    %broadcast_in_dim3A_120 = vector.shape_cast %concatenate3A_119 : vector<1000x144xf32> to vector<1x1000x144xf32>
    %get3A_121 = arith.constant 0 : index
    %get3A_122 = arith.constant 256 : index
    %get3A_123 = vector.load %arg4[%get3A_121, %get3A_122] : memref<128x512xf32, #tpu.memory_space<vmem>>, vector<128x128xf32>
    %dot_general3A_124 = arith.constant dense<0.000000e+00> : vector<1000x128xf32>
    %dot_general3A_125 = tpu.matmul %get3A_1, %get3A_123, %dot_general3A_124 {dimension_numbers = #tpu.dot_dimension_numbers<[1], [0], [0], [1], [0, 0, 1, 1], [], []>, transpose_lhs_hint = false} : vector<1000x128xf32>, vector<128x128xf32>, vector<1000x128xf32> -> vector<1000x128xf32>
    %get3A_126 = arith.constant 0 : index
    %get3A_127 = arith.constant 256 : index
    %get3A_128 = vector.load %arg5[%get3A_126, %get3A_127] : memref<1x512xf32, #tpu.memory_space<vmem>>, vector<1x128xf32>
    %add3A_129 = vector.broadcast %get3A_128 : vector<1x128xf32> to vector<1000x128xf32>
    %add3A_130 = arith.addf %dot_general3A_125, %add3A_129 : vector<1000x128xf32>
    %get3A_131 = arith.constant 0 : index
    %get3A_132 = arith.constant 256 : index
    %get3A_133 = vector.load %arg9[%get3A_131, %get3A_132] : memref<1x512xf32, #tpu.memory_space<vmem>>, vector<1x128xf32>
    %add3A_134 = vector.broadcast %get3A_133 : vector<1x128xf32> to vector<1000x128xf32>
    %add3A_135 = arith.addf %add3A_130, %add3A_134 : vector<1000x128xf32>
    %broadcast_in_dim3A_136 = vector.shape_cast %add3A_135 : vector<1000x128xf32> to vector<1x1000x128xf32>
    %get3A_137 = arith.constant 0 : index
    %get3A_138 = arith.constant 256 : index
    %get3A_139 = vector.load %arg6[%get3A_137, %get3A_138] : memref<128x512xf32, #tpu.memory_space<vmem>>, vector<128x128xf32>
    %dot_general3A_140 = arith.constant dense<0.000000e+00> : vector<1000x128xf32>
    %dot_general3A_141 = tpu.matmul %get3A_1, %get3A_139, %dot_general3A_140 {dimension_numbers = #tpu.dot_dimension_numbers<[1], [0], [0], [1], [0, 0, 1, 1], [], []>, transpose_lhs_hint = false} : vector<1000x128xf32>, vector<128x128xf32>, vector<1000x128xf32> -> vector<1000x128xf32>
    %get3A_142 = arith.constant 0 : index
    %get3A_143 = arith.constant 256 : index
    %get3A_144 = vector.load %arg7[%get3A_142, %get3A_143] : memref<1x512xf32, #tpu.memory_space<vmem>>, vector<1x128xf32>
    %add3A_145 = vector.broadcast %get3A_144 : vector<1x128xf32> to vector<1000x128xf32>
    %add3A_146 = arith.addf %dot_general3A_141, %add3A_145 : vector<1000x128xf32>
    %get3A_147 = arith.constant 0 : index
    %get3A_148 = arith.constant 256 : index
    %get3A_149 = vector.load %arg9[%get3A_147, %get3A_148] : memref<1x512xf32, #tpu.memory_space<vmem>>, vector<1x128xf32>
    %add3A_150 = vector.broadcast %get3A_149 : vector<1x128xf32> to vector<1000x128xf32>
    %add3A_151 = arith.addf %add3A_146, %add3A_150 : vector<1000x128xf32>
    %broadcast_in_dim3A_152 = vector.shape_cast %add3A_151 : vector<1000x128xf32> to vector<1x1000x128xf32>
    %get3A_153 = arith.constant 0 : index
    %get3A_154 = arith.constant 384 : index
    %get3A_155 = vector.load %arg2[%get3A_153, %get3A_154] : memref<128x512xf32, #tpu.memory_space<vmem>>, vector<128x128xf32>
    %dot_general3A_156 = arith.constant dense<0.000000e+00> : vector<1000x128xf32>
    %dot_general3A_157 = tpu.matmul %get3A_1, %get3A_155, %dot_general3A_156 {dimension_numbers = #tpu.dot_dimension_numbers<[1], [0], [0], [1], [0, 0, 1, 1], [], []>, transpose_lhs_hint = false} : vector<1000x128xf32>, vector<128x128xf32>, vector<1000x128xf32> -> vector<1000x128xf32>
    %get3A_158 = arith.constant 0 : index
    %get3A_159 = arith.constant 384 : index
    %get3A_160 = vector.load %arg3[%get3A_158, %get3A_159] : memref<1x512xf32, #tpu.memory_space<vmem>>, vector<1x128xf32>
    %add3A_161 = vector.broadcast %get3A_160 : vector<1x128xf32> to vector<1000x128xf32>
    %add3A_162 = arith.addf %dot_general3A_157, %add3A_161 : vector<1000x128xf32>
    %mul3A_163 = arith.constant 0.0883883461 : f32
    %mul3A_164 = vector.broadcast %mul3A_163 : f32 to vector<1000x128xf32>
    %mul3A_165 = arith.mulf %add3A_162, %mul3A_164 : vector<1000x128xf32>
    %get3A_166 = arith.constant 384 : index
    %get3A_167 = arith.constant 0 : index
    %get3A_168 = vector.load %arg8[%get3A_166, %get3A_167] : memref<512x16xf32, #tpu.memory_space<vmem>>, vector<128x16xf32>
    %dot_general3A_169 = arith.constant dense<0.000000e+00> : vector<1000x16xf32>
    %dot_general3A_170 = tpu.matmul %mul3A_165, %get3A_168, %dot_general3A_169 {dimension_numbers = #tpu.dot_dimension_numbers<[1], [0], [0], [1], [0, 0, 1, 1], [], []>, transpose_lhs_hint = false} : vector<1000x128xf32>, vector<128x16xf32>, vector<1000x16xf32> -> vector<1000x16xf32>
    %concatenate3A_171 = tpu.concatenate %mul3A_165, %dot_general3A_170 in 1 : vector<1000x128xf32>, vector<1000x16xf32> -> vector<1000x144xf32>
    %broadcast_in_dim3A_172 = vector.shape_cast %concatenate3A_171 : vector<1000x144xf32> to vector<1x1000x144xf32>
    %get3A_173 = arith.constant 0 : index
    %get3A_174 = arith.constant 384 : index
    %get3A_175 = vector.load %arg4[%get3A_173, %get3A_174] : memref<128x512xf32, #tpu.memory_space<vmem>>, vector<128x128xf32>
    %dot_general3A_176 = arith.constant dense<0.000000e+00> : vector<1000x128xf32>
    %dot_general3A_177 = tpu.matmul %get3A_1, %get3A_175, %dot_general3A_176 {dimension_numbers = #tpu.dot_dimension_numbers<[1], [0], [0], [1], [0, 0, 1, 1], [], []>, transpose_lhs_hint = false} : vector<1000x128xf32>, vector<128x128xf32>, vector<1000x128xf32> -> vector<1000x128xf32>
    %get3A_178 = arith.constant 0 : index
    %get3A_179 = arith.constant 384 : index
    %get3A_180 = vector.load %arg5[%get3A_178, %get3A_179] : memref<1x512xf32, #tpu.memory_space<vmem>>, vector<1x128xf32>
    %add3A_181 = vector.broadcast %get3A_180 : vector<1x128xf32> to vector<1000x128xf32>
    %add3A_182 = arith.addf %dot_general3A_177, %add3A_181 : vector<1000x128xf32>
    %get3A_183 = arith.constant 0 : index
    %get3A_184 = arith.constant 384 : index
    %get3A_185 = vector.load %arg9[%get3A_183, %get3A_184] : memref<1x512xf32, #tpu.memory_space<vmem>>, vector<1x128xf32>
    %add3A_186 = vector.broadcast %get3A_185 : vector<1x128xf32> to vector<1000x128xf32>
    %add3A_187 = arith.addf %add3A_182, %add3A_186 : vector<1000x128xf32>
    %broadcast_in_dim3A_188 = vector.shape_cast %add3A_187 : vector<1000x128xf32> to vector<1x1000x128xf32>
    %get3A_189 = arith.constant 0 : index
    %get3A_190 = arith.constant 384 : index
    %get3A_191 = vector.load %arg6[%get3A_189, %get3A_190] : memref<128x512xf32, #tpu.memory_space<vmem>>, vector<128x128xf32>
    %dot_general3A_192 = arith.constant dense<0.000000e+00> : vector<1000x128xf32>
    %dot_general3A_193 = tpu.matmul %get3A_1, %get3A_191, %dot_general3A_192 {dimension_numbers = #tpu.dot_dimension_numbers<[1], [0], [0], [1], [0, 0, 1, 1], [], []>, transpose_lhs_hint = false} : vector<1000x128xf32>, vector<128x128xf32>, vector<1000x128xf32> -> vector<1000x128xf32>
    %get3A_194 = arith.constant 0 : index
    %get3A_195 = arith.constant 384 : index
    %get3A_196 = vector.load %arg7[%get3A_194, %get3A_195] : memref<1x512xf32, #tpu.memory_space<vmem>>, vector<1x128xf32>
    %add3A_197 = vector.broadcast %get3A_196 : vector<1x128xf32> to vector<1000x128xf32>
    %add3A_198 = arith.addf %dot_general3A_193, %add3A_197 : vector<1000x128xf32>
    %get3A_199 = arith.constant 0 : index
    %get3A_200 = arith.constant 384 : index
    %get3A_201 = vector.load %arg9[%get3A_199, %get3A_200] : memref<1x512xf32, #tpu.memory_space<vmem>>, vector<1x128xf32>
    %add3A_202 = vector.broadcast %get3A_201 : vector<1x128xf32> to vector<1000x128xf32>
    %add3A_203 = arith.addf %add3A_198, %add3A_202 : vector<1000x128xf32>
    %broadcast_in_dim3A_204 = vector.shape_cast %add3A_203 : vector<1000x128xf32> to vector<1x1000x128xf32>
    %concatenate3A_205 = tpu.concatenate %broadcast_in_dim3A, %broadcast_in_dim3A_68, %broadcast_in_dim3A_120, %broadcast_in_dim3A_172 in 0 : vector<1x1000x144xf32>, vector<1x1000x144xf32>, vector<1x1000x144xf32>, vector<1x1000x144xf32> -> vector<4x1000x144xf32>
    %swap3A = arith.constant 0 : index
    %swap3A_206 = arith.constant 0 : index
    %swap3A_207 = arith.constant 0 : index
    %swap3A_208 = vector.load %arg10[%swap3A, %swap3A_206, %swap3A_207] : memref<4x1000x144xf32, #tpu.memory_space<vmem>>, vector<4x1000x144xf32>
    tpu.vector_store %arg10[%swap3A, %swap3A_206, %swap3A_207], %concatenate3A_205 {strides = array<i32>} : memref<4x1000x144xf32, #tpu.memory_space<vmem>>, vector<4x1000x144xf32>,
    %concatenate3A_209 = tpu.concatenate %broadcast_in_dim3A_32, %broadcast_in_dim3A_84, %broadcast_in_dim3A_136, %broadcast_in_dim3A_188 in 0 : vector<1x1000x128xf32>, vector<1x1000x128xf32>, vector<1x1000x128xf32>, vector<1x1000x128xf32> -> vector<4x1000x128xf32>
    %swap3A_210 = arith.constant 0 : index
    %swap3A_211 = arith.constant 0 : index
    %swap3A_212 = arith.constant 0 : index
    %swap3A_213 = vector.load %arg11[%swap3A_210, %swap3A_211, %swap3A_212] : memref<4x1000x128xf32, #tpu.memory_space<vmem>>, vector<4x1000x128xf32>
    tpu.vector_store %arg11[%swap3A_210, %swap3A_211, %swap3A_212], %concatenate3A_209 {strides = array<i32>} : memref<4x1000x128xf32, #tpu.memory_space<vmem>>, vector<4x1000x128xf32>,
    %concatenate3A_214 = tpu.concatenate %broadcast_in_dim3A_48, %broadcast_in_dim3A_100, %broadcast_in_dim3A_152, %broadcast_in_dim3A_204 in 0 : vector<1x1000x128xf32>, vector<1x1000x128xf32>, vector<1x1000x128xf32>, vector<1x1000x128xf32> -> vector<4x1000x128xf32>
    %swap3A_215 = arith.constant 0 : index
    %swap3A_216 = arith.constant 0 : index
    %swap3A_217 = arith.constant 0 : index
    %swap3A_218 = vector.load %arg12[%swap3A_215, %swap3A_216, %swap3A_217] : memref<4x1000x128xf32, #tpu.memory_space<vmem>>, vector<4x1000x128xf32>
    tpu.vector_store %arg12[%swap3A_215, %swap3A_216, %swap3A_217], %concatenate3A_214 {strides = array<i32>} : memref<4x1000x128xf32, #tpu.memory_space<vmem>>, vector<4x1000x128xf32>,
    return
  }
  func.func @transform_0(%arg0: i32) -> (i32, i32) {
    %c0_i32 = arith.constant 0 : i32
    %c0_i32_0 = arith.constant 0 : i32
    return %arg0, %c0_i32 : i32, i32
  }
  func.func @transform_1(%arg0: i32) -> (i32, i32) {
    %c0_i32 = arith.constant 0 : i32
    %c0_i32_0 = arith.constant 0 : i32
    %c0_i32_1 = arith.constant 0 : i32
    return %c0_i32, %c0_i32_0 : i32, i32
  }
  func.func @transform_2(%arg0: i32) -> (i32, i32) {
    %c0_i32 = arith.constant 0 : i32
    %c0_i32_0 = arith.constant 0 : i32
    %c0_i32_1 = arith.constant 0 : i32
    return %c0_i32, %c0_i32_0 : i32, i32
  }
  func.func @transform_3(%arg0: i32) -> (i32, i32) {
    %c0_i32 = arith.constant 0 : i32
    %c0_i32_0 = arith.constant 0 : i32
    %c0_i32_1 = arith.constant 0 : i32
    return %c0_i32, %c0_i32_0 : i32, i32
  }
  func.func @transform_4(%arg0: i32) -> (i32, i32) {
    %c0_i32 = arith.constant 0 : i32
    %c0_i32_0 = arith.constant 0 : i32
    %c0_i32_1 = arith.constant 0 : i32
    return %c0_i32, %c0_i32_0 : i32, i32
  }
  func.func @transform_5(%arg0: i32) -> (i32, i32) {
    %c0_i32 = arith.constant 0 : i32
    %c0_i32_0 = arith.constant 0 : i32
    %c0_i32_1 = arith.constant 0 : i32
    return %c0_i32, %c0_i32_0 : i32, i32
  }
  func.func @transform_6(%arg0: i32) -> (i32, i32) {
    %c0_i32 = arith.constant 0 : i32
    %c0_i32_0 = arith.constant 0 : i32
    %c0_i32_1 = arith.constant 0 : i32
    return %c0_i32, %c0_i32_0 : i32, i32
  }
  func.func @transform_7(%arg0: i32) -> (i32, i32) {
    %c0_i32 = arith.constant 0 : i32
    %c0_i32_0 = arith.constant 0 : i32
    %c0_i32_1 = arith.constant 0 : i32
    return %c0_i32, %c0_i32_0 : i32, i32
  }
  func.func @transform_8(%arg0: i32) -> (i32, i32) {
    %c0_i32 = arith.constant 0 : i32
    %c0_i32_0 = arith.constant 0 : i32
    %c0_i32_1 = arith.constant 0 : i32
    return %c0_i32, %c0_i32_0 : i32, i32
  }
  func.func @transform_9(%arg0: i32) -> (i32, i32, i32) {
    %c0_i32 = arith.constant 0 : i32
    %c0_i32_0 = arith.constant 0 : i32
    %c0_i32_1 = arith.constant 0 : i32
    return %c0_i32, %arg0, %c0_i32_0 : i32, i32, i32
  }
  func.func @transform_10(%arg0: i32) -> (i32, i32, i32) {
    %c0_i32 = arith.constant 0 : i32
    %c0_i32_0 = arith.constant 0 : i32
    %c0_i32_1 = arith.constant 0 : i32
    return %c0_i32, %arg0, %c0_i32_0 : i32, i32, i32
  }
  func.func @transform_11(%arg0: i32) -> (i32, i32, i32) {
    %c0_i32 = arith.constant 0 : i32
    %c0_i32_0 = arith.constant 0 : i32
    %c0_i32_1 = arith.constant 0 : i32
    return %c0_i32, %arg0, %c0_i32_0 : i32, i32, i32
  }
}

module attributes {stable_mosaic.version = 14 : i64} {
  func.func @_post_a_body(%arg0: i32, %arg1: memref<4x1000x128xf32, #tpu.memory_space<vmem>>, %arg2: memref<4x1000x16xf32, #tpu.memory_space<vmem>>, %arg3: memref<4x1000x1xf32, #tpu.memory_space<vmem>>, %arg4: memref<16x512xf32, #tpu.memory_space<vmem>>, %arg5: memref<1000x128xf32, #tpu.memory_space<vmem>>, %arg6: memref<128x128xf32, #tpu.memory_space<vmem>>, %arg7: memref<1x128xf32, #tpu.memory_space<vmem>>, %arg8: memref<1000x128xf32, #tpu.memory_space<vmem>>, %arg9: memref<8x128xf32, #tpu.memory_space<vmem>>) attributes {dimension_semantics = [#tpu.dimension_semantics<arbitrary>], iteration_bounds = array<i64: 10>, scalar_prefetch = 0 : i64, scratch_operands = 0 : i64, tpu.core_type = #tpu.core_type<tc>, window_params = [{transform_indices = @transform_0, window_bounds = array<i64: 4, 1000, 128>}, {transform_indices = @transform_1, window_bounds = array<i64: 4, 1000, 16>}, {transform_indices = @transform_2, window_bounds = array<i64: 4, 1000, 1>}, {pipeline_mode = #tpu.pipeline_mode<synchronous>, transform_indices = @transform_3, window_bounds = array<i64: 16, 512>}, {transform_indices = @transform_4, window_bounds = array<i64: 1000, 128>}, {pipeline_mode = #tpu.pipeline_mode<synchronous>, transform_indices = @transform_5, window_bounds = array<i64: 128, 128>}, {pipeline_mode = #tpu.pipeline_mode<synchronous>, transform_indices = @transform_6, window_bounds = array<i64: 1, 128>}, {transform_indices = @transform_7, window_bounds = array<i64: 1000, 128>}, {pipeline_mode = #tpu.pipeline_mode<synchronous>, transform_indices = @transform_8, window_bounds = array<i64: 8, 128>}]} {
    %broadcast_in_dim3A = arith.constant 0.000000e+00 : f32
    %broadcast_in_dim3A_0 = vector.broadcast %broadcast_in_dim3A : f32 to vector<1000x128xf32>
    %get3A = arith.constant 0 : index
    %get3A_1 = arith.constant 0 : index
    %get3A_2 = arith.constant 0 : index
    %get3A_3 = vector.load %arg1[%get3A, %get3A_1, %get3A_2] : memref<4x1000x128xf32, #tpu.memory_space<vmem>>, vector<1x1000x128xf32>
    %get3A_4 = vector.shape_cast %get3A_3 : vector<1x1000x128xf32> to vector<1000x128xf32>
    %get3A_5 = arith.constant 0 : index
    %get3A_6 = arith.constant 0 : index
    %get3A_7 = arith.constant 0 : index
    %get3A_8 = vector.load %arg2[%get3A_5, %get3A_6, %get3A_7] : memref<4x1000x16xf32, #tpu.memory_space<vmem>>, vector<1x1000x16xf32>
    %get3A_9 = vector.shape_cast %get3A_8 : vector<1x1000x16xf32> to vector<1000x16xf32>
    %get3A_10 = arith.constant 0 : index
    %get3A_11 = arith.constant 0 : index
    %get3A_12 = arith.constant 0 : index
    %get3A_13 = vector.load %arg3[%get3A_10, %get3A_11, %get3A_12] : memref<4x1000x1xf32, #tpu.memory_space<vmem>>, vector<1x1000x1xf32>
    %get3A_14 = vector.shape_cast %get3A_13 : vector<1x1000x1xf32> to vector<1000x1xf32>
    %get3A_15 = arith.constant 0 : index
    %get3A_16 = arith.constant 0 : index
    %get3A_17 = vector.load %arg4[%get3A_15, %get3A_16] : memref<16x512xf32, #tpu.memory_space<vmem>>, vector<16x128xf32>
    %dot_general3A = arith.constant dense<0.000000e+00> : vector<1000x128xf32>
    %dot_general3A_18 = tpu.matmul %get3A_9, %get3A_17, %dot_general3A {dimension_numbers = #tpu.dot_dimension_numbers<[1], [0], [0], [1], [0, 0, 1, 1], [], []>, transpose_lhs_hint = false} : vector<1000x16xf32>, vector<16x128xf32>, vector<1000x128xf32> -> vector<1000x128xf32>
    %add3A = arith.addf %get3A_4, %dot_general3A_18 : vector<1000x128xf32>
    %add3A_19 = arith.constant 1.000000e-16 : f32
    %add3A_20 = vector.broadcast %add3A_19 : f32 to vector<1000x1xf32>
    %add3A_21 = arith.addf %get3A_14, %add3A_20 : vector<1000x1xf32>
    %div3A = vector.broadcast %add3A_21 : vector<1000x1xf32> to vector<1000x128xf32>
    %div3A_22 = arith.divf %add3A, %div3A : vector<1000x128xf32>
    %add3A_23 = arith.addf %broadcast_in_dim3A_0, %div3A_22 : vector<1000x128xf32>
    %get3A_24 = arith.constant 1 : index
    %get3A_25 = arith.constant 0 : index
    %get3A_26 = arith.constant 0 : index
    %get3A_27 = vector.load %arg1[%get3A_24, %get3A_25, %get3A_26] : memref<4x1000x128xf32, #tpu.memory_space<vmem>>, vector<1x1000x128xf32>
    %get3A_28 = vector.shape_cast %get3A_27 : vector<1x1000x128xf32> to vector<1000x128xf32>
    %get3A_29 = arith.constant 1 : index
    %get3A_30 = arith.constant 0 : index
    %get3A_31 = arith.constant 0 : index
    %get3A_32 = vector.load %arg2[%get3A_29, %get3A_30, %get3A_31] : memref<4x1000x16xf32, #tpu.memory_space<vmem>>, vector<1x1000x16xf32>
    %get3A_33 = vector.shape_cast %get3A_32 : vector<1x1000x16xf32> to vector<1000x16xf32>
    %get3A_34 = arith.constant 1 : index
    %get3A_35 = arith.constant 0 : index
    %get3A_36 = arith.constant 0 : index
    %get3A_37 = vector.load %arg3[%get3A_34, %get3A_35, %get3A_36] : memref<4x1000x1xf32, #tpu.memory_space<vmem>>, vector<1x1000x1xf32>
    %get3A_38 = vector.shape_cast %get3A_37 : vector<1x1000x1xf32> to vector<1000x1xf32>
    %get3A_39 = arith.constant 0 : index
    %get3A_40 = arith.constant 128 : index
    %get3A_41 = vector.load %arg4[%get3A_39, %get3A_40] : memref<16x512xf32, #tpu.memory_space<vmem>>, vector<16x128xf32>
    %dot_general3A_42 = arith.constant dense<0.000000e+00> : vector<1000x128xf32>
    %dot_general3A_43 = tpu.matmul %get3A_33, %get3A_41, %dot_general3A_42 {dimension_numbers = #tpu.dot_dimension_numbers<[1], [0], [0], [1], [0, 0, 1, 1], [], []>, transpose_lhs_hint = false} : vector<1000x16xf32>, vector<16x128xf32>, vector<1000x128xf32> -> vector<1000x128xf32>
    %add3A_44 = arith.addf %get3A_28, %dot_general3A_43 : vector<1000x128xf32>
    %add3A_45 = arith.constant 1.000000e-16 : f32
    %add3A_46 = vector.broadcast %add3A_45 : f32 to vector<1000x1xf32>
    %add3A_47 = arith.addf %get3A_38, %add3A_46 : vector<1000x1xf32>
    %div3A_48 = vector.broadcast %add3A_47 : vector<1000x1xf32> to vector<1000x128xf32>
    %div3A_49 = arith.divf %add3A_44, %div3A_48 : vector<1000x128xf32>
    %add3A_50 = arith.addf %add3A_23, %div3A_49 : vector<1000x128xf32>
    %get3A_51 = arith.constant 2 : index
    %get3A_52 = arith.constant 0 : index
    %get3A_53 = arith.constant 0 : index
    %get3A_54 = vector.load %arg1[%get3A_51, %get3A_52, %get3A_53] : memref<4x1000x128xf32, #tpu.memory_space<vmem>>, vector<1x1000x128xf32>
    %get3A_55 = vector.shape_cast %get3A_54 : vector<1x1000x128xf32> to vector<1000x128xf32>
    %get3A_56 = arith.constant 2 : index
    %get3A_57 = arith.constant 0 : index
    %get3A_58 = arith.constant 0 : index
    %get3A_59 = vector.load %arg2[%get3A_56, %get3A_57, %get3A_58] : memref<4x1000x16xf32, #tpu.memory_space<vmem>>, vector<1x1000x16xf32>
    %get3A_60 = vector.shape_cast %get3A_59 : vector<1x1000x16xf32> to vector<1000x16xf32>
    %get3A_61 = arith.constant 2 : index
    %get3A_62 = arith.constant 0 : index
    %get3A_63 = arith.constant 0 : index
    %get3A_64 = vector.load %arg3[%get3A_61, %get3A_62, %get3A_63] : memref<4x1000x1xf32, #tpu.memory_space<vmem>>, vector<1x1000x1xf32>
    %get3A_65 = vector.shape_cast %get3A_64 : vector<1x1000x1xf32> to vector<1000x1xf32>
    %get3A_66 = arith.constant 0 : index
    %get3A_67 = arith.constant 256 : index
    %get3A_68 = vector.load %arg4[%get3A_66, %get3A_67] : memref<16x512xf32, #tpu.memory_space<vmem>>, vector<16x128xf32>
    %dot_general3A_69 = arith.constant dense<0.000000e+00> : vector<1000x128xf32>
    %dot_general3A_70 = tpu.matmul %get3A_60, %get3A_68, %dot_general3A_69 {dimension_numbers = #tpu.dot_dimension_numbers<[1], [0], [0], [1], [0, 0, 1, 1], [], []>, transpose_lhs_hint = false} : vector<1000x16xf32>, vector<16x128xf32>, vector<1000x128xf32> -> vector<1000x128xf32>
    %add3A_71 = arith.addf %get3A_55, %dot_general3A_70 : vector<1000x128xf32>
    %add3A_72 = arith.constant 1.000000e-16 : f32
    %add3A_73 = vector.broadcast %add3A_72 : f32 to vector<1000x1xf32>
    %add3A_74 = arith.addf %get3A_65, %add3A_73 : vector<1000x1xf32>
    %div3A_75 = vector.broadcast %add3A_74 : vector<1000x1xf32> to vector<1000x128xf32>
    %div3A_76 = arith.divf %add3A_71, %div3A_75 : vector<1000x128xf32>
    %add3A_77 = arith.addf %add3A_50, %div3A_76 : vector<1000x128xf32>
    %get3A_78 = arith.constant 3 : index
    %get3A_79 = arith.constant 0 : index
    %get3A_80 = arith.constant 0 : index
    %get3A_81 = vector.load %arg1[%get3A_78, %get3A_79, %get3A_80] : memref<4x1000x128xf32, #tpu.memory_space<vmem>>, vector<1x1000x128xf32>
    %get3A_82 = vector.shape_cast %get3A_81 : vector<1x1000x128xf32> to vector<1000x128xf32>
    %get3A_83 = arith.constant 3 : index
    %get3A_84 = arith.constant 0 : index
    %get3A_85 = arith.constant 0 : index
    %get3A_86 = vector.load %arg2[%get3A_83, %get3A_84, %get3A_85] : memref<4x1000x16xf32, #tpu.memory_space<vmem>>, vector<1x1000x16xf32>
    %get3A_87 = vector.shape_cast %get3A_86 : vector<1x1000x16xf32> to vector<1000x16xf32>
    %get3A_88 = arith.constant 3 : index
    %get3A_89 = arith.constant 0 : index
    %get3A_90 = arith.constant 0 : index
    %get3A_91 = vector.load %arg3[%get3A_88, %get3A_89, %get3A_90] : memref<4x1000x1xf32, #tpu.memory_space<vmem>>, vector<1x1000x1xf32>
    %get3A_92 = vector.shape_cast %get3A_91 : vector<1x1000x1xf32> to vector<1000x1xf32>
    %get3A_93 = arith.constant 0 : index
    %get3A_94 = arith.constant 384 : index
    %get3A_95 = vector.load %arg4[%get3A_93, %get3A_94] : memref<16x512xf32, #tpu.memory_space<vmem>>, vector<16x128xf32>
    %dot_general3A_96 = arith.constant dense<0.000000e+00> : vector<1000x128xf32>
    %dot_general3A_97 = tpu.matmul %get3A_87, %get3A_95, %dot_general3A_96 {dimension_numbers = #tpu.dot_dimension_numbers<[1], [0], [0], [1], [0, 0, 1, 1], [], []>, transpose_lhs_hint = false} : vector<1000x16xf32>, vector<16x128xf32>, vector<1000x128xf32> -> vector<1000x128xf32>
    %add3A_98 = arith.addf %get3A_82, %dot_general3A_97 : vector<1000x128xf32>
    %add3A_99 = arith.constant 1.000000e-16 : f32
    %add3A_100 = vector.broadcast %add3A_99 : f32 to vector<1000x1xf32>
    %add3A_101 = arith.addf %get3A_92, %add3A_100 : vector<1000x1xf32>
    %div3A_102 = vector.broadcast %add3A_101 : vector<1000x1xf32> to vector<1000x128xf32>
    %div3A_103 = arith.divf %add3A_98, %div3A_102 : vector<1000x128xf32>
    %add3A_104 = arith.addf %add3A_77, %div3A_103 : vector<1000x128xf32>
    %mul3A = arith.constant 2.500000e-01 : f32
    %mul3A_105 = vector.broadcast %mul3A : f32 to vector<1000x128xf32>
    %mul3A_106 = arith.mulf %add3A_104, %mul3A_105 : vector<1000x128xf32>
    %get3A_107 = arith.constant 0 : index
    %get3A_108 = arith.constant 0 : index
    %get3A_109 = vector.load %arg5[%get3A_107, %get3A_108] : memref<1000x128xf32, #tpu.memory_space<vmem>>, vector<1000x128xf32>
    %get3A_110 = arith.constant 0 : index
    %get3A_111 = arith.constant 0 : index
    %get3A_112 = vector.load %arg6[%get3A_110, %get3A_111] : memref<128x128xf32, #tpu.memory_space<vmem>>, vector<128x128xf32>
    %dot_general3A_113 = arith.constant dense<0.000000e+00> : vector<1000x128xf32>
    %dot_general3A_114 = tpu.matmul %get3A_109, %get3A_112, %dot_general3A_113 {dimension_numbers = #tpu.dot_dimension_numbers<[1], [0], [0], [1], [0, 0, 1, 1], [], []>, transpose_lhs_hint = false} : vector<1000x128xf32>, vector<128x128xf32>, vector<1000x128xf32> -> vector<1000x128xf32>
    %add3A_115 = arith.addf %mul3A_106, %dot_general3A_114 : vector<1000x128xf32>
    %get3A_116 = arith.constant 0 : index
    %get3A_117 = arith.constant 0 : index
    %get3A_118 = vector.load %arg7[%get3A_116, %get3A_117] : memref<1x128xf32, #tpu.memory_space<vmem>>, vector<1x128xf32>
    %add3A_119 = vector.broadcast %get3A_118 : vector<1x128xf32> to vector<1000x128xf32>
    %add3A_120 = arith.addf %add3A_115, %add3A_119 : vector<1000x128xf32>
    %swap3A = arith.constant 0 : index
    %swap3A_121 = arith.constant 0 : index
    %swap3A_122 = vector.load %arg8[%swap3A, %swap3A_121] : memref<1000x128xf32, #tpu.memory_space<vmem>>, vector<1000x128xf32>
    tpu.vector_store %arg8[%swap3A, %swap3A_121], %add3A_120 {strides = array<i32>} : memref<1000x128xf32, #tpu.memory_space<vmem>>, vector<1000x128xf32>,
    %eq3A = arith.constant 0 : i32
    %eq3A_123 = arith.cmpi eq, %arg0, %eq3A : i32
    %convert_element_type3A = arith.extui %eq3A_123 : i1 to i32
    %cond3A = arith.constant 0 : i32
    %cond3A_124 = arith.cmpi ne, %convert_element_type3A, %cond3A : i32
    scf.if %cond3A_124 {
      %broadcast_in_dim3A_145 = arith.constant 0.000000e+00 : f32
      %broadcast_in_dim3A_146 = vector.broadcast %broadcast_in_dim3A_145 : f32 to vector<8x128xf32>
      %swap3A_147 = arith.constant 0 : index
      %swap3A_148 = arith.constant 0 : index
      %swap3A_149 = vector.load %arg9[%swap3A_147, %swap3A_148] : memref<8x128xf32, #tpu.memory_space<vmem>>, vector<8x128xf32>
      tpu.vector_store %arg9[%swap3A_147, %swap3A_148], %broadcast_in_dim3A_146 {strides = array<i32>} : memref<8x128xf32, #tpu.memory_space<vmem>>, vector<8x128xf32>,
    } else {
    }
    %get3A_125 = arith.constant 0 : index
    %get3A_126 = arith.constant 0 : index
    %get3A_127 = vector.load %arg9[%get3A_125, %get3A_126] : memref<8x128xf32, #tpu.memory_space<vmem>>, vector<1x128xf32>
    %reduce_sum3A = arith.constant dense<0.000000e+00> : vector<128xf32>
    %reduce_sum3A_128 = vector.multi_reduction <add>, %add3A_120, %reduce_sum3A [0] : vector<1000x128xf32> to vector<128xf32>
    %broadcast_in_dim3A_129 = vector.shape_cast %reduce_sum3A_128 : vector<128xf32> to vector<1x128xf32>
    %add3A_130 = arith.addf %get3A_127, %broadcast_in_dim3A_129 : vector<1x128xf32>
    %swap3A_131 = arith.constant 0 : index
    %swap3A_132 = arith.constant 0 : index
    %swap3A_133 = vector.load %arg9[%swap3A_131, %swap3A_132] : memref<8x128xf32, #tpu.memory_space<vmem>>, vector<1x128xf32>
    tpu.vector_store %arg9[%swap3A_131, %swap3A_132], %add3A_130 {strides = array<i32>} : memref<8x128xf32, #tpu.memory_space<vmem>>, vector<1x128xf32>,
    %get3A_134 = arith.constant 1 : index
    %get3A_135 = arith.constant 0 : index
    %get3A_136 = vector.load %arg9[%get3A_134, %get3A_135] : memref<8x128xf32, #tpu.memory_space<vmem>>, vector<1x128xf32>
    %mul3A_137 = arith.mulf %add3A_120, %add3A_120 : vector<1000x128xf32>
    %reduce_sum3A_138 = arith.constant dense<0.000000e+00> : vector<128xf32>
    %reduce_sum3A_139 = vector.multi_reduction <add>, %mul3A_137, %reduce_sum3A_138 [0] : vector<1000x128xf32> to vector<128xf32>
    %broadcast_in_dim3A_140 = vector.shape_cast %reduce_sum3A_139 : vector<128xf32> to vector<1x128xf32>
    %add3A_141 = arith.addf %get3A_136, %broadcast_in_dim3A_140 : vector<1x128xf32>
    %swap3A_142 = arith.constant 1 : index
    %swap3A_143 = arith.constant 0 : index
    %swap3A_144 = vector.load %arg9[%swap3A_142, %swap3A_143] : memref<8x128xf32, #tpu.memory_space<vmem>>, vector<1x128xf32>
    tpu.vector_store %arg9[%swap3A_142, %swap3A_143], %add3A_141 {strides = array<i32>} : memref<8x128xf32, #tpu.memory_space<vmem>>, vector<1x128xf32>,
    return
  }
  func.func @transform_0(%arg0: i32) -> (i32, i32, i32) {
    %c0_i32 = arith.constant 0 : i32
    %c0_i32_0 = arith.constant 0 : i32
    %c0_i32_1 = arith.constant 0 : i32
    return %c0_i32, %arg0, %c0_i32_0 : i32, i32, i32
  }
  func.func @transform_1(%arg0: i32) -> (i32, i32, i32) {
    %c0_i32 = arith.constant 0 : i32
    %c0_i32_0 = arith.constant 0 : i32
    %c0_i32_1 = arith.constant 0 : i32
    return %c0_i32, %arg0, %c0_i32_0 : i32, i32, i32
  }
  func.func @transform_2(%arg0: i32) -> (i32, i32, i32) {
    %c0_i32 = arith.constant 0 : i32
    %c0_i32_0 = arith.constant 0 : i32
    %c0_i32_1 = arith.constant 0 : i32
    return %c0_i32, %arg0, %c0_i32_0 : i32, i32, i32
  }
  func.func @transform_3(%arg0: i32) -> (i32, i32) {
    %c0_i32 = arith.constant 0 : i32
    %c0_i32_0 = arith.constant 0 : i32
    %c0_i32_1 = arith.constant 0 : i32
    return %c0_i32, %c0_i32_0 : i32, i32
  }
  func.func @transform_4(%arg0: i32) -> (i32, i32) {
    %c0_i32 = arith.constant 0 : i32
    %c0_i32_0 = arith.constant 0 : i32
    return %arg0, %c0_i32 : i32, i32
  }
  func.func @transform_5(%arg0: i32) -> (i32, i32) {
    %c0_i32 = arith.constant 0 : i32
    %c0_i32_0 = arith.constant 0 : i32
    %c0_i32_1 = arith.constant 0 : i32
    return %c0_i32, %c0_i32_0 : i32, i32
  }
  func.func @transform_6(%arg0: i32) -> (i32, i32) {
    %c0_i32 = arith.constant 0 : i32
    %c0_i32_0 = arith.constant 0 : i32
    %c0_i32_1 = arith.constant 0 : i32
    return %c0_i32, %c0_i32_0 : i32, i32
  }
  func.func @transform_7(%arg0: i32) -> (i32, i32) {
    %c0_i32 = arith.constant 0 : i32
    %c0_i32_0 = arith.constant 0 : i32
    return %arg0, %c0_i32 : i32, i32
  }
  func.func @transform_8(%arg0: i32) -> (i32, i32) {
    %c0_i32 = arith.constant 0 : i32
    %c0_i32_0 = arith.constant 0 : i32
    %c0_i32_1 = arith.constant 0 : i32
    return %c0_i32, %c0_i32_0 : i32, i32
  }
}

module attributes {stable_mosaic.version = 14 : i64} {
  func.func @_post_b_body(%arg0: i32, %arg1: memref<1000x128xf32, #tpu.memory_space<vmem>>, %arg2: memref<8x128xf32, #tpu.memory_space<vmem>>, %arg3: memref<1x128xf32, #tpu.memory_space<vmem>>, %arg4: memref<1x128xf32, #tpu.memory_space<vmem>>, %arg5: memref<1000x128xf32, #tpu.memory_space<vmem>>) attributes {dimension_semantics = [#tpu.dimension_semantics<arbitrary>], iteration_bounds = array<i64: 10>, scalar_prefetch = 0 : i64, scratch_operands = 0 : i64, tpu.core_type = #tpu.core_type<tc>, window_params = [{transform_indices = @transform_0, window_bounds = array<i64: 1000, 128>}, {pipeline_mode = #tpu.pipeline_mode<synchronous>, transform_indices = @transform_1, window_bounds = array<i64: 8, 128>}, {pipeline_mode = #tpu.pipeline_mode<synchronous>, transform_indices = @transform_2, window_bounds = array<i64: 1, 128>}, {pipeline_mode = #tpu.pipeline_mode<synchronous>, transform_indices = @transform_3, window_bounds = array<i64: 1, 128>}, {transform_indices = @transform_4, window_bounds = array<i64: 1000, 128>}]} {
    %get3A = arith.constant 0 : index
    %get3A_0 = arith.constant 0 : index
    %get3A_1 = vector.load %arg2[%get3A, %get3A_0] : memref<8x128xf32, #tpu.memory_space<vmem>>, vector<1x128xf32>
    %mul3A = arith.constant 9.99999974E-5 : f32
    %mul3A_2 = vector.broadcast %mul3A : f32 to vector<1x128xf32>
    %mul3A_3 = arith.mulf %get3A_1, %mul3A_2 : vector<1x128xf32>
    %get3A_4 = arith.constant 1 : index
    %get3A_5 = arith.constant 0 : index
    %get3A_6 = vector.load %arg2[%get3A_4, %get3A_5] : memref<8x128xf32, #tpu.memory_space<vmem>>, vector<1x128xf32>
    %mul3A_7 = arith.constant 9.99999974E-5 : f32
    %mul3A_8 = vector.broadcast %mul3A_7 : f32 to vector<1x128xf32>
    %mul3A_9 = arith.mulf %get3A_6, %mul3A_8 : vector<1x128xf32>
    %mul3A_10 = arith.mulf %mul3A_3, %mul3A_3 : vector<1x128xf32>
    %sub3A = arith.subf %mul3A_9, %mul3A_10 : vector<1x128xf32>
    %add3A = arith.constant 9.99999974E-6 : f32
    %add3A_11 = vector.broadcast %add3A : f32 to vector<1x128xf32>
    %add3A_12 = arith.addf %sub3A, %add3A_11 : vector<1x128xf32>
    %rsqrt3A = math.rsqrt %add3A_12 : vector<1x128xf32>
    %get3A_13 = arith.constant 0 : index
    %get3A_14 = arith.constant 0 : index
    %get3A_15 = vector.load %arg3[%get3A_13, %get3A_14] : memref<1x128xf32, #tpu.memory_space<vmem>>, vector<1x128xf32>
    %mul3A_16 = arith.mulf %rsqrt3A, %get3A_15 : vector<1x128xf32>
    %get3A_17 = arith.constant 0 : index
    %get3A_18 = arith.constant 0 : index
    %get3A_19 = vector.load %arg1[%get3A_17, %get3A_18] : memref<1000x128xf32, #tpu.memory_space<vmem>>, vector<1000x128xf32>
    %sub3A_20 = vector.broadcast %mul3A_3 : vector<1x128xf32> to vector<1000x128xf32>
    %sub3A_21 = arith.subf %get3A_19, %sub3A_20 : vector<1000x128xf32>
    %mul3A_22 = vector.broadcast %mul3A_16 : vector<1x128xf32> to vector<1000x128xf32>
    %mul3A_23 = arith.mulf %sub3A_21, %mul3A_22 : vector<1000x128xf32>
    %get3A_24 = arith.constant 0 : index
    %get3A_25 = arith.constant 0 : index
    %get3A_26 = vector.load %arg4[%get3A_24, %get3A_25] : memref<1x128xf32, #tpu.memory_space<vmem>>, vector<1x128xf32>
    %add3A_27 = vector.broadcast %get3A_26 : vector<1x128xf32> to vector<1000x128xf32>
    %add3A_28 = arith.addf %mul3A_23, %add3A_27 : vector<1000x128xf32>
    %swap3A = arith.constant 0 : index
    %swap3A_29 = arith.constant 0 : index
    %swap3A_30 = vector.load %arg5[%swap3A, %swap3A_29] : memref<1000x128xf32, #tpu.memory_space<vmem>>, vector<1000x128xf32>
    tpu.vector_store %arg5[%swap3A, %swap3A_29], %add3A_28 {strides = array<i32>} : memref<1000x128xf32, #tpu.memory_space<vmem>>, vector<1000x128xf32>,
    return
  }
  func.func @transform_0(%arg0: i32) -> (i32, i32) {
    %c0_i32 = arith.constant 0 : i32
    %c0_i32_0 = arith.constant 0 : i32
    return %arg0, %c0_i32 : i32, i32
  }
  func.func @transform_1(%arg0: i32) -> (i32, i32) {
    %c0_i32 = arith.constant 0 : i32
    %c0_i32_0 = arith.constant 0 : i32
    %c0_i32_1 = arith.constant 0 : i32
    return %c0_i32, %c0_i32_0 : i32, i32
  }
  func.func @transform_2(%arg0: i32) -> (i32, i32) {
    %c0_i32 = arith.constant 0 : i32
    %c0_i32_0 = arith.constant 0 : i32
    %c0_i32_1 = arith.constant 0 : i32
    return %c0_i32, %c0_i32_0 : i32, i32
  }
  func.func @transform_3(%arg0: i32) -> (i32, i32) {
    %c0_i32 = arith.constant 0 : i32
    %c0_i32_0 = arith.constant 0 : i32
    %c0_i32_1 = arith.constant 0 : i32
    return %c0_i32, %c0_i32_0 : i32, i32
  }
  func.func @transform_4(%arg0: i32) -> (i32, i32) {
    %c0_i32 = arith.constant 0 : i32
    %c0_i32_0 = arith.constant 0 : i32
    return %arg0, %c0_i32 : i32, i32
  }
}

</mosaic_0001>

<sc_bundles>
// kernel: kernel.6.cloned.1.call-start
scs
__scs_entry_jumppad:
0x0: {  	(pc) =	sbr.rel $0x88, $3  }
0x1: {  	(tag) =	ssettag $0x0;
	lr =	simm.s32 $0x1  }
0x2: {  	[smem:$0x3F92] =	sst lr;
	_ =	strace $0xD0000000  }
0x3: {  	_ = 	snop  }
0x4: {  	_ = 	snop  }
0x5: {  	_ = 	snop  }
0x6: {  	_ = 	snop  }
0x7: {  	_ = 	snop  }
__scs_overlays_trampoline_lowered:
0x8: {  	[smem:$0x3FA1] =	sst s0  }
0x9: {  	[smem:$0x3FA2] =	sst s1  }
0xa: {  	[smem:$0x3FA3] =	sst s2  }
0xb: {  	[smem:$0x3FA4] =	sst s3  }
0xc: {  	[smem:$0x3FA5] =	sst s4  }
0xd: {  	[smem:$0x3FA6] =	sst s5  }
0xe: {  	[smem:$0x3FA7] =	sst s6  }
0xf: {  	[smem:$0x3FA8] =	sst s7  }
0x10: {  	[smem:$0x3FA9] =	sst s8  }
0x11: {  	[smem:$0x3FAA] =	sst s9;
	s0 =	simm.s32 @!p0 $0x0  }
0x12: {  	s1 =	sld [smem:$0x3F90];
	s0 =	simm.s32 @p0 $0x1  }
0x13: {  	[smem:$0x3FAB] =	sst s0;
	s0 =	simm.s32 @!p1 $0x0  }
0x14: {  	s2 =	sld [smem:$0x3F8F];
	s0 =	simm.s32 @p1 $0x1  }
0x15: {  	[smem:$0x3FAC] =	sst s0;
	s0 =	simm.s32 @!p2 $0x0  }
0x16: {  	s3 =	sld [smem:$0x3FDB];
	s0 =	simm.s32 @p2 $0x1  }
0x17: {  	s4 =	simm.s32 $0x1BF5;
	[smem:$0x3FAE] =	sst s0  }
0x18: {  	s0 =	sld [smem:$0x3F91];
	_ =	swait.ge [sflag:s4], $0x0  }
0x19: {  	s7 =	sld [smem:$0x3F92]  }
0x1a: {  	s8 =	sadd.s32 $0xFFFFE003, lr  }
0x1b: {  	s9 =	sadd.s32 $0xFFFFFEF7, lr;
	s5 =	simm.s32 $0xFFFFFFFF;
	p2 =	slt.u32 s8, $0xFFFFF086  }
0x1c: {  	p1 =	slt.u32 s9, $0xF7A;
	s5 =	simm.s32 @!p2 $0x0  }
0x1d: {  	s5 =	simm.s32 @p1 $0x1;
	p0 =	seq.s32 s7, s2  }
0x1e: {  	s7 =	smul.u32 @!p0 $0xF7A, s2;
	p2 =	seq.s32 @!p0 s5, $0x0  }
0x1f: {  	s9 =	smul.u32 $0xF7A, s1;
	s8 =	simm.s32 @!p0 $0x1BF5;
	p2 =	por !p2, p0  }
0x20: {  	[sflag:s8] =	ssyncset.s32 @!p0 $0xFFFFF086;
	s6 =	sadd.s32 @!p0 s3, s7;
	s7 =	simm.s32 @!p0 $0x108  }
0x21: {  	s3 =	sadd.s32 s3, s9;
	s6 =	sadd.s32 @!p0 $0x88, s6;
	s7 =	simm.s32 @p2 $0x1082  }
0x22: {  	[simem:s7], [sflag:s8] =	dma.local @!p0 [hbm:s6], $0xF7A  }
0x23: {  	s9 =	sor.u32 $0xD0000000, s2;
	s6 =	simm.s32 $0x108;
	_ =	swait.ge @!p0 [sflag:s8], $0x0  }
0x24: {  	s3 =	sadd.s32 $0x88, s3;
	s6 =	simm.s32 @!p1 $0x1082;
	[sflag:s4] =	ssyncset.s32 $0xFFFFF086  }
0x25: {  	[simem:s6], [sflag:s4] =	dma.local [hbm:s3], $0xF7A  }
0x26: {  	[smem:$0x3F92] =	sst s1;
	(tag) =	ssettag s2;
	_ =	strace s9  }
0x27: {  	s1 =	sld [smem:$0x3FA2]  }
0x28: {  	s2 =	sld [smem:$0x3FA3]  }
0x29: {  	s4 =	sld [smem:$0x3FA5]  }
0x2a: {  	p0 =	seq.s32 s5, $0x0;
	s5 =	sld [smem:$0x3FA6]  }
0x2b: {  	s6 =	sld [smem:$0x3FA7]  }
0x2c: {  	s7 =	sld [smem:$0x3FA8]  }
0x2d: {  	s3 =	simm.s32 $0x108;
	s8 =	sld [smem:$0x3FA9]  }
0x2e: {  	s3 =	simm.s32 @!p0 $0x1082;
	s9 =	sld [smem:$0x3FAA]  }
0x2f: {  	lr =	sadd.s32 s0, s3;
	s0 =	sld [smem:$0x3FA1]  }
0x30: {  	s3 =	sld [smem:$0x3FA4]  }
0x31: {  	[smem:$0x3FAD] =	sst s10  }
0x32: {  	s10 =	sld [smem:$0x3FAB];
	_ =	sdelay $0x3  }
0x33: {  	p0 =	seq.s32 s10, $0x1;
	s10 =	sld [smem:$0x3FAD];
	_ =	sdelay $0x3  }
0x34: {  	[smem:$0x3FAD] =	sst s10  }
0x35: {  	s10 =	sld [smem:$0x3FAC];
	_ =	sdelay $0x3  }
0x36: {  	p1 =	seq.s32 s10, $0x1;
	s10 =	sld [smem:$0x3FAD];
	_ =	sdelay $0x3  }
0x37: {  	[smem:$0x3FAD] =	sst s10  }
0x38: {  	s10 =	sld [smem:$0x3FAE]  }
0x39: {  	_ = 	snop;
	(pc) =	sbr.ind lr, $3  }
0x3a: {  	_ = 	snop  }
0x3b: {  	_ = 	snop  }
0x3c: {  	p2 =	seq.s32 s10, $0x1;
	s10 =	sld [smem:$0x3FAD]  }
0x3d: {  	_ =	shalt  }
0x3e: {  	_ =	shalt  }
0x3f: {  	_ =	shalt  }
0x40: {  	_ =	shalt  }
0x41: {  	_ =	shalt  }
0x42: {  	_ =	shalt  }
0x43: {  	_ =	shalt  }
0x44: {  	_ =	shalt  }
0x45: {  	_ =	shalt  }
0x46: {  	_ =	shalt  }
0x47: {  	_ =	shalt  }
0x48: {  	_ =	shalt  }
0x49: {  	_ =	shalt  }
0x4a: {  	_ =	shalt  }
0x4b: {  	_ =	shalt  }
0x4c: {  	_ =	shalt  }
0x4d: {  	_ =	shalt  }
0x4e: {  	_ =	shalt  }
0x4f: {  	_ =	shalt  }
0x50: {  	_ =	shalt  }
0x51: {  	_ =	shalt  }
0x52: {  	_ =	shalt  }
0x53: {  	_ =	shalt  }
0x54: {  	_ =	shalt  }
0x55: {  	_ =	shalt  }
0x56: {  	_ =	shalt  }
0x57: {  	_ =	shalt  }
0x58: {  	_ =	shalt  }
0x59: {  	_ =	shalt  }
0x5a: {  	_ =	shalt  }
0x5b: {  	_ =	shalt  }
0x5c: {  	_ =	shalt  }
0x5d: {  	_ =	shalt  }
0x5e: {  	_ =	shalt  }
0x5f: {  	_ =	shalt  }
0x60: {  	_ =	shalt  }
0x61: {  	_ =	shalt  }
0x62: {  	_ =	shalt  }
0x63: {  	_ =	shalt  }
0x64: {  	_ =	shalt  }
0x65: {  	_ =	shalt  }
0x66: {  	_ =	shalt  }
0x67: {  	_ =	shalt  }
0x68: {  	_ =	shalt  }
0x69: {  	_ =	shalt  }
0x6a: {  	_ =	shalt  }
0x6b: {  	_ =	shalt  }
0x6c: {  	_ =	shalt  }
0x6d: {  	_ =	shalt  }
0x6e: {  	_ =	shalt  }
0x6f: {  	_ =	shalt  }
0x70: {  	_ =	shalt  }
0x71: {  	_ =	shalt  }
0x72: {  	_ =	shalt  }
0x73: {  	_ =	shalt  }
0x74: {  	_ =	shalt  }
0x75: {  	_ =	shalt  }
0x76: {  	_ =	shalt  }
0x77: {  	_ =	shalt  }
0x78: {  	_ =	shalt  }
0x79: {  	_ =	shalt  }
0x7a: {  	_ =	shalt  }
0x7b: {  	_ =	shalt  }
0x7c: {  	_ =	shalt  }
0x7d: {  	_ =	shalt  }
0x7e: {  	_ =	shalt  }
0x7f: {  	_ =	shalt  }
0x80: {  	_ =	shalt  }
0x81: {  	_ =	shalt  }
0x82: {  	_ =	shalt  }
0x83: {  	_ =	shalt  }
0x84: {  	_ =	shalt  }
0x85: {  	_ =	shalt  }
0x86: {  	_ =	shalt  }
0x87: {  	_ =	shalt  }
.Lfunc_end0:
.L_simem_size_0:
called_computation_lowered:
.L_overlay_start_0:
0x88: {  	s2 =	sld [smem:$0x3FD9]  }
0x89: {  	s3 =	sld [smem:$0x3FFE];
	_ =	sdelay $0x1  }
0x8a: {  	s1 =	srdreg.scid  }
0x8b: {  	s0 =	sand.u32 $0x1, s1  }
0x8c: {  	s14 =	sshll.u32 s0, $0xA;
	s2 =	sadd.s32 s3, s2  }
0x8d: {  	s2 =	sadd.s32 s2, s14  }
0x8e: {  	[smem:$0x3FB9] =	sst s2  }
0x8f: {  	_ = 	snop  }
0x90: {  	s2 =	sld [smem:$0x3FD0];
	_ =	sdelay $0x2  }
0x91: {  	s15 =	simm.s32 $0xA;
	s4 =	simm.s32 $0x10  }
0x92: {  	[smem:s4], [sflag:s15] =	dma.local [hbm:s2], $0x1  }
0x93: {  	_ =	swait.eq [sflag:s15], $0x1  }
0x94: {  	s16 =	sld [smem:$0x10];
	[sflag:s15] =	ssyncset.done $0x0  }
0x95: {  	s17 =	sld [smem:$0x11];
	[sflag:s15] =	ssyncadd.s32 $0xFFFFFFFF  }
0x96: {  	s18 =	sld [smem:$0x12];
	(tm) =	ssettm $0x1  }
0x97: {  	s5 =	sld [smem:$0x3FFB];
	_ =	sdelay $0x3  }
0x98: {  	_ =	strace s5  }
0x99: {  	s5 =	sld [smem:$0x3FFC];
	_ =	sdelay $0x3  }
0x9a: {  	_ =	strace s5  }
0x9b: {  	s5 =	sld [smem:$0x3FFD];
	_ =	sdelay $0x3  }
0x9c: {  	_ =	strace s5  }
0x9d: {  	_ =	strace $0x8FFFFFFF  }
0x9e: {  	s19 =	sld [smem:$0x3FDB];
	_ =	sdelay $0x1  }
0x9f: {  	s6 =	simm.s32 $_scs_section_size  }
0xa0: {  	s7 =	simm.s32 $_size__tile_overlayer_lowered;
	s8 =	simm.s32 $_tile_overlayer_lowered  }
0xa1: {  	s22 =	simm.s32 $0x1BFF;
	s21 =	sshll.u32 s8, $0x1;
	s5 =	sadd.s32 s6, s19  }
0xa2: {  	s9 =	simm.s32 $0x0;
	s20 =	sshll.u32 s7, $0x1;
	s7 =	sadd.s32 s21, s5  }
0xa3: {  	[timem:s9], [sflag:s22] =	dma.local [hbm:s7], s20  }
0xa4: {  	_ =	swait.ge [sflag:s22], s20  }
0xa5: {  	s6 =	ssub.s32 $0x0, s20;
	[sflag:s22] =	ssyncset.done $0x0  }
0xa6: {  	[sflag:s22] =	ssyncadd.s32 s6;
	_ =	sdelay $0x1  }
0xa7: {  	s23 =	simm.s32 $0x1B8B  }
0xa8: {  	_ =	swait.ge [sflag:s23], $0x1  }
0xa9: {  	[sflag:s23] =	ssyncset.done $0x0  }
0xaa: {  	s25 =	simm.s32 $0x1B8E;
	s24 =	sld [smem:$0x3FFE];
	[sflag:s23] =	ssyncadd.s32 $0xFFFFFFFF  }
0xab: {  	s26 =	simm.s32 $execute0_lowered;
	[smem:$0x3FD2] =	sst s25  }
0xac: {  	s7 =	sshll.u32 s26, $0x1;
	_ =	strace $0x80000046;
	[dreg:$0x1] =	wrdreg $0xFFFFFFFF  }
0xad: {  	s28 =	simm.s32 $_size_execute0_lowered;
	s5 =	sadd.s32 s5, s7;
	[dreg:$0x0] =	wrdreg $0x0  }
0xae: {  	s7 =	sshll.u32 s28, $0x1;
	[dreg:$0x2] =	wrdreg s5  }
0xaf: {  	[dreg:$0x3] =	wrdreg s7  }
0xb0: {  	[dreg:$0x4] =	wrdreg $0xC0  }
0xb1: {  	_ =	task [dreg:s9], $0x5FFFF  }
0xb2: {  	[dreg:$0x1] =	wrdreg $0xFFFFFFFF  }
0xb3: {  	[dreg:$0x0] =	wrdreg $0x60  }
0xb4: {  	[dreg:$0x2] =	wrdreg s24  }
0xb5: {  	[dreg:$0x3] =	wrdreg s18  }
0xb6: {  	[dreg:$0x4] =	wrdreg s17  }
0xb7: {  	[dreg:$0x5] =	wrdreg s16  }
0xb8: {  	[dreg:$0x6] =	wrdreg $0x0  }
0xb9: {  	[dreg:$0x7] =	wrdreg $0x138800  }
0xba: {  	[dreg:$0x8] =	wrdreg $0x9  }
0xbb: {  	_ =	task.clear_ibuf [dreg:s9], $0x9FFFF;
	_ =	strace $0x90000046  }
0xbc: {  	s29 =	simm.s32 $0x9;
	_ =	strace $0x80000048  }
0xbd: {  	_ =	swait.ge [sflag:s29], $0x1  }
0xbe: {  	[sflag:s29] =	ssyncadd.s32 $0xFFFFFFFF  }
0xbf: {  	_ =	strace $0x90000048  }
0xc0: {  	_ =	sfence  }
0xc1: {  	s30 =	sld [smem:$0x0];
	_ =	sdelay $0x2  }
0xc2: {  	s31 =	sshll.u32 s1, $0xD;
	s1 =	sshrl.u32 s1, $0x2  }
0xc3: {  	s3 =	sand.u32 $0x4000, s31;
	s1 =	sadd.s32 s1, s30  }
0xc4: {  	s0 =	sor.u32 s3, s0;
	s1 =	sshll.u32 s1, $0x11  }
0xc5: {  	s0 =	sor.u32 s1, s0  }
0xc6: {  	s0 =	sadd.s32 $0x8F2B, s0  }
0xc7: {  	[sflag:s0] =	ssyncadd.remote.s32 $0x1  }
0xc8: {  	_ =	sfence.sel $0xFFFF  }
0xc9: {  	[dreg:$0x0] =	wrdreg $0xFFFFFFFF;
	(pc) =	sbr.abs _section_cstart, $3  }
0xca: {  	[dreg:$0x1] =	wrdreg $0xFFFFFFFF  }
0xcb: {  	_ =	task.clear_ibuf [dreg:s9], $0x2FFFF;
	_ =	strace $0x9FFFFFFF  }
0xcc: {  	(tm) =	ssettm $0x7FFFFFFF  }
0xcd: {  	_ =	shalt  }
tec
execute0_lowered:
.L_overlay_start_1:
0x0: {  	(tag) =	ssettag $0x1  }
0x1: {  	s0 =	rddreg [dreg:$0x0]  }
0x2: {  	s1 =	rddreg [dreg:$0x1]  }
0x3: {  	s2 =	rddreg [dreg:$0x2]  }
0x4: {  	s11 =	rddreg [dreg:$0x3]  }
0x5: {  	s3 =	rddreg [dreg:$0x4]  }
0x6: {  	s4 =	rddreg [dreg:$0x5];
	s5 =	simm.s32 $0x0  }
0x7: {  	s8 =	srdreg.scid;
	s21 =	simm.s32 $0x4;
	s28 =	simm.s32 $0x18760  }
0x8: {  	s29 =	simm.s32 $0x1AB60;
	s30 =	simm.s32 $0x1CB60;
	[smem:$0x7FF] =	sst s5  }
0x9: {  	s31 =	simm.s32 $0x1;
	s6 =	sadd.s32 $0x1D8C00, s0;
	s7 =	sadd.s32 $0x13C800, s0  }
0xa: {  	s9 =	sadd.s32 $0x4000, s0;
	s10 =	sadd.s32 $0xDE00, s0;
	s12 =	sand.u32 $0x1, s8  }
0xb: {  	s16 =	sadd.s32 $0xAA200, s0;
	s8 =	stileid.u32;
	s13 =	smul.u32 $0x4E20, s12  }
0xc: {  	s14 =	sadd.s32 $0xACA00, s0;
	s0 =	sadd.s32 $0x288A00, s0;
	s17 =	smul.u32 $0x4E200, s8  }
0xd: {  	_ =	strace $0x80000047;
	[dreg:$0x8] =	wrdreg s16;
	s16 =	smul.u32 $0x271, s8  }
0xe: {  	[dreg:$0x9] =	wrdreg s14;
	s12 =	ssub.s32 $0x2, s12;
	s18 =	smul.u32 $0x13880, s8  }
0xf: {  	s15 =	sshrl.u32 s12, $0x1;
	s14 =	sshrl.u32 s17, $0x2;
	s17 =	sshll.u32 s8, $0x6  }
0x10: {  	s12 =	ssub.s32 s12, s15;
	s18 =	sshrl.u32 s18, $0x2;
	s19 =	sadd.s32 s16, s13  }
0x11: {  	s20 =	sadd.s32 $0x2710, s13;
	v0 =	vmov s13;
	s13 =	simm.s32 $0x3;
	s14 =	sadd.s32 s14, s3  }
0x12: {  	s15 =	sadd.s32 s18, s4;
	s22 =	sshll.u32 s19, $0x4;
	s16 =	sadd.s32 s16, s20  }
0x13: {  	s23 =	sshll.u32 s19, $0x2;
	s26 =	smax.u32 s12, $0x1;
	[dreg:$0xa] =	wrdreg s14  }
0x14: {  	s14 =	sor.u32 $0x1C04, s17;
	[dreg:$0xb] =	wrdreg s15;
	s15 =	sadd.s32 s0, s22  }
0x15: {  	s24 =	sshll.u32 s16, $0x4;
	s25 =	sshll.u32 s16, $0x2;
	[dreg:$0x10] =	wrdreg s26  }
.Ltmp0:
0x16: {  	s22 =	simm.s32 $0x186A0;
	s26 =	simm.s32 $0x18720;
	(pc) =	sbr.rel .LBB2_1-.Ltmp0, $4  }
0x17: {  	[dreg:$0xc] =	wrdreg s15;
	s15 =	sadd.s32 s11, s23;
	s0 =	sadd.s32 s0, s24  }
0x18: {  	s23 =	simm.s32 $0x5;
	s24 =	simm.s32 $0x186E0;
	[dreg:$0xd] =	wrdreg s15  }
0x19: {  	[dreg:$0xe] =	wrdreg s0;
	s0 =	sadd.s32 s11, s25;
	s25 =	simm.s32 $0x40  }
0x1a: {  	vm0 =	vmmov $0x1;
	v1 =	vmov s20;
	s15 =	simm.s32 $0x1EF60;
	[dreg:$0xf] =	wrdreg s0;
	s0 =	simm.s32 $0x2  }
.LBB2_13:
0x1b: {  	[bflag:$0x0] =	sbarrier.arrive $0xFFFF  }
0x1c: {  	s5 =	rddreg [dreg:$0xe]  }
0x1d: {  	s11 =	rddreg [dreg:$0x11]  }
0x1e: {  	[hbm:s5], [sflag:s14] =	dma.local [spmem:s11], $0x2710  }
0x1f: {  	_ =	swait.ge [sflag:s21], $0x2710  }
0x20: {  	[sflag:s21] =	ssyncset.done $0x0;
	s17 =	rddreg [dreg:$0xf]  }
0x21: {  	s18 =	rddreg [dreg:$0x12];
	[sflag:s21] =	ssyncadd.s32 $0xFFFFD8F0  }
0x22: {  	[hbm:s17], [sflag:s14] =	dma.local [spmem:s18], $0x9C4  }
0x23: {  	_ =	swait.ge [sflag:s21], $0x9C4  }
0x24: {  	s19 =	rddreg [dreg:$0x7]  }
0x25: {  	s20 =	rddreg [dreg:$0x10];
	s5 =	sadd.s32 $0x1, s19  }
0x26: {  	p0 =	sne.s32 s5, s20  }
.Ltmp1:
0x27: {  	_ = 	snop;
	(pc) =	sbr.rel @!p0 .LBB2_14-.Ltmp1, $3  }
0x28: {  	[sflag:s21] =	ssyncset.done $0x0  }
0x29: {  	[sflag:s21] =	ssyncadd.s32 $0xFFFFF63C  }
0x2a: {  	[bflag:$0x0] =	sbarrier.arrive $0xFFFF;
	_ =	sdelay $0x1  }
.LBB2_1:
0x2b: {  	[dreg:$0x7] =	wrdreg s5  }
0x2c: {  	s16 =	rddreg [dreg:$0xa]  }
0x2d: {  	s17 =	rddreg [dreg:$0x8];
	s11 =	sshrl.u32 s16, $0x3  }
0x2e: {  	[dreg:$0x11] =	wrdreg s11  }
0x2f: {  	[spmem:s11], [sflag:s14] =	dma.local [hbm:s17], $0x2710  }
0x30: {  	_ =	swait.ge [sflag:s21], $0x2710  }
0x31: {  	s18 =	rddreg [dreg:$0xb]  }
0x32: {  	[sflag:s21] =	ssyncset.done $0x0;
	s20 =	rddreg [dreg:$0x9];
	s19 =	sshrl.u32 s18, $0x3  }
0x33: {  	[sflag:s21] =	ssyncadd.s32 $0xFFFFD8F0;
	[dreg:$0x12] =	wrdreg s19  }
0x34: {  	[spmem:s19], [sflag:s14] =	dma.local [hbm:s20], $0x9C4  }
.Ltmp2:
0x35: {  	_ =	swait.ge [sflag:s21], $0x9C4;
	(pc) =	sbr.rel .LBB2_2-.Ltmp2, $4  }
0x36: {  	[sflag:s21] =	ssyncset.done $0x0  }
0x37: {  	[sflag:s21] =	ssyncadd.s32 $0xFFFFF63C  }
0x38: {  	[bflag:$0x0] =	sbarrier.arrive $0xFFFF  }
0x39: {  	s18 =	simm.s32 $0x0  }
.LBB2_6:
0x3a: {  	s18 =	sadd.s32 $0x1, s18  }
0x3b: {  	p0 =	sne.s32 s18, $0x139  }
.Ltmp3:
0x3c: {  	_ = 	snop;
	(pc) =	sbr.rel @!p0 .LBB2_7-.Ltmp3, $1  }
0x3d: {  	_ =	sdelay $0x3  }
.LBB2_2:
0x3e: {  	s11 =	sshll.u32 s18, $0x4  }
0x3f: {  	s11 =	sor.u32 s8, s11  }
0x40: {  	p0 =	sgt.u32 s11, $0x1387  }
.Ltmp4:
0x41: {  	_ = 	snop;
	(pc) =	sbr.rel @p0 .LBB2_6-.Ltmp4, $1  }
0x42: {  	_ =	sdelay $0x3  }
0x43: {  	s12 =	sshll.u32 s11, $0x3  }
0x44: {  	s17 =	simm.s32 $0x0;
	s16 =	sadd.s32 s9, s12  }
0x45: {  	[tilespmem:s22], [sflag:$0x5] =	stream.linear.gather [hbm4b:s16+s17], $0x40, $0x38;
	[tilespmem:$0x1F760] =	vst v63  }
0x46: {  	_ =	swait.ge [sflag:s23], $0x40  }
0x47: {  	[sflag:s23] =	ssyncset.done $0x0  }
0x48: {  	s12 =	sadd.s32 s2, s12;
	[sflag:s23] =	ssyncadd.s32 $0xFFFFFFC0  }
0x49: {  	[tilespmem:s24], [sflag:$0x5] =	stream.linear.gather [hbm4b:s12+s17], $0x40, $0x38;
	[tilespmem:$0x1F760] =	vst v63  }
0x4a: {  	_ =	swait.ge [sflag:s23], $0x40  }
0x4b: {  	[sflag:s23] =	ssyncset.done $0x0  }
0x4c: {  	[sflag:s23] =	ssyncadd.s32 $0xFFFFFFC0  }
0x4d: {  	v2 =	vld [tilespmem:$0x186A0]  }
0x4e: {  	v3 =	vld [tilespmem:$0x186E0]  }
0x4f: {  	v4 =	vld [tilespmem:$0x186B0]  }
0x50: {  	v5 =	vld [tilespmem:$0x186F0]  }
0x51: {  	v6 =	vld [tilespmem:$0x186C0]  }
0x52: {  	v7 =	vld [tilespmem:$0x18700];
	v2 =	vadd.s32 v0, v2  }
0x53: {  	[tilespmem:$0x186A0] =	vst v2;
	v2 =	vadd.s32 v0, v3;
	v3 =	vld [tilespmem:$0x186D0]  }
0x54: {  	[tilespmem:$0x18720] =	vst v2;
	v2 =	vadd.s32 v0, v4;
	v4 =	vld [tilespmem:$0x18710]  }
0x55: {  	[tilespmem:$0x186B0] =	vst v2;
	v2 =	vadd.s32 v0, v5  }
0x56: {  	[tilespmem:$0x18730] =	vst v2;
	v2 =	vadd.s32 v0, v6  }
0x57: {  	[tilespmem:$0x186C0] =	vst v2;
	v2 =	vadd.s32 v0, v7  }
0x58: {  	[tilespmem:$0x18740] =	vst v2;
	v2 =	vadd.s32 v0, v3  }
0x59: {  	[tilespmem:$0x186D0] =	vst v2;
	v2 =	vadd.s32 v0, v4  }
0x5a: {  	[tilespmem:$0x18750] =	vst v2  }
0x5b: {  	[tilespmem:s28], [sflag:$0x1] =	stream.indirect.gather [hbm4b:s6+s25], $0x90, s26, s25, $0xb8;
	[tilespmem:$0x1F760] =	vst v63  }
0x5c: {  	_ = 	snop  }
0x5d: {  	[tilespmem:s29], [sflag:$0x2] =	stream.indirect.gather [hbm4b:s1+s25], $0x80, s22, s25, $0xb8;
	[tilespmem:$0x1F760] =	vst v63  }
0x5e: {  	s20 =	sshll.u32 s11, $0x7  }
0x5f: {  	[tilespmem:s30], [sflag:$0x3] =	stream.indirect.gather [hbm4b:s7+s25], $0x80, s22, s25, $0xb8;
	[tilespmem:$0x1F760] =	vst v63  }
0x60: {  	s19 =	simm.s32 $0x1EB60;
	s11 =	sadd.s32 s10, s20  }
0x61: {  	[tilespmem:s19], [sflag:$0x5] =	stream.linear.gather [hbm4b:s11+s17], $0x400, $0x38;
	[tilespmem:$0x1F760] =	vst v63  }
0x62: {  	_ =	swait.ge [sflag:s23], $0x400  }
0x63: {  	[sflag:s23] =	ssyncset.done $0x0  }
0x64: {  	[sflag:s23] =	ssyncadd.s32 $0xFFFFFC00  }
0x65: {  	_ =	swait.ge [sflag:s31], $0x2400  }
0x66: {  	[sflag:s31] =	ssyncset.done $0x0  }
0x67: {  	[sflag:s31] =	ssyncadd.s32 $0xFFFFDC00  }
0x68: {  	_ =	swait.ge [sflag:s0], $0x2000  }
0x69: {  	[sflag:s0] =	ssyncset.done $0x0  }
0x6a: {  	[sflag:s0] =	ssyncadd.s32 $0xFFFFE000  }
0x6b: {  	_ =	swait.ge [sflag:s13], $0x2000  }
0x6c: {  	[sflag:s13] =	ssyncset.done $0x0  }
0x6d: {  	s20 =	simm.s32 $0x187A0;
	[sflag:s13] =	ssyncadd.s32 $0xFFFFE000  }
0x6e: {  	v2 =	vld [tilespmem:s20+$0xFFFFFFD0]  }
0x6f: {  	s11 =	simm.s32 $0x0;
	v3 =	vld [tilespmem:s20+$0xFFFFFFC0]  }
0x70: {  	v4 =	vld [tilespmem:s11+$0x1AB60]  }
0x71: {  	v5 =	vld [tilespmem:s11+$0x1AB70]  }
0x72: {  	v6 =	vld [tilespmem:s20+$0xFFFFFFE0]  }
0x73: {  	v7 =	vld [tilespmem:s11+$0x1AB80]  }
0x74: {  	v8 =	vld [tilespmem:s20+$0xFFFFFFF0]  }
0x75: {  	v9 =	vld [tilespmem:s11+$0x1AB90]  }
0x76: {  	v3 =	vmul.f32 v4, v3;
	v4 =	vld [tilespmem:s20+$0x0];
	v2 =	vmul.f32 v5, v2  }
0x77: {  	v5 =	vld [tilespmem:s11+$0x1ABA0]  }
0x78: {  	v6 =	vmul.f32 v7, v6;
	v7 =	vld [tilespmem:s20+$0x10];
	v2 =	vadd.f32 v2, v3  }
0x79: {  	v3 =	vld [tilespmem:s11+$0x1ABB0]  }
0x7a: {  	v8 =	vmul.f32 v9, v8;
	v9 =	vld [tilespmem:s20+$0x20];
	v2 =	vadd.f32 v6, v2  }
0x7b: {  	v6 =	vld [tilespmem:s11+$0x1ABC0]  }
0x7c: {  	v4 =	vmul.f32 v5, v4;
	v5 =	vld [tilespmem:s20+$0x30];
	v2 =	vadd.f32 v8, v2  }
0x7d: {  	v8 =	vld [tilespmem:s11+$0x1ABD0]  }
0x7e: {  	v10 =	vld [tilespmem:s19+$0x0];
	v3 =	vmul.f32 v3, v7;
	v2 =	vadd.f32 v4, v2  }
0x7f: {  	v7 =	vld [tilespmem:s20+$0x40]  }
0x80: {  	v4 =	vmul.f32 v6, v9;
	v2 =	vadd.f32 v3, v2;
	_ =	sdelay $0x1  }
0x81: {  	v3 =	vmul.f32 v8, v5;
	v2 =	vadd.f32 v4, v2;
	_ =	sdelay $0x1  }
0x82: {  	v4 =	vmul.f32 v7, v10;
	v2 =	vadd.f32 v3, v2;
	_ =	sdelay $0x1  }
0x83: {  	v2 =	vadd.f32 v4, v2;
	_ =	sdelay $0x1  }
0x84: {  	(xrf2) =	vadd.scan.msk.f32 $0xffff, v2;
	_ =	sdelay $0x9  }
0x85: {  	v2, _, _ =	vpop (xrf2)  }
0x86: {  	v2 =	vmul.f32 $1.442695020e+00, v2;
	_ =	sdelay $0x1  }
0x87: {  	v2 =	vbroadcast v2, $0xF;
	_ =	sdelay $0x1  }
0x88: {  	(erf) = vpow2.f32 v2;
	_ =	sdelay $0x1  }
0x89: {  	v12 =	vld [tilespmem:s11+$0x1CBD0]  }
0x8a: {  	v6 =	vld [tilespmem:s11+$0x1CB90]  }
0x8b: {  	v5 =	vld [tilespmem:s11+$0x1CB80]  }
0x8c: {  	v3 =	vld [tilespmem:s11+$0x1CB60]  }
0x8d: {  	v8 =	vld [tilespmem:s11+$0x1CB70]  }
0x8e: {  	v7 =	vld [tilespmem:s11+$0x1CBA0]  }
0x8f: {  	v4 =	vld [tilespmem:s11+$0x1CBB0]  }
0x90: {  	v9 =	vld [tilespmem:s11+$0x1CBC0];
	v2 =	vpop (erf)  }
0x91: {  	v11 =	vmul.f32 v2, v3;
	v3 =	vmul.f32 v2, v10  }
0x92: {  	s16 =	simm.s32 $0x1EF70;
	s12 =	simm.s32 $0x1EF70;
	s17 =	simm.s32 $0x200;
	v5 =	vmul.f32 v2, v5;
	v10 =	vmul.f32 v12, v2  }
.LBB2_4:
0x93: {  	[tilespmem:s11+$0x1CB60] =	vst v11;
	v8 =	vmul.f32 v2, v8;
	v6 =	vmul.f32 v6, v2;
	s19 =	sadd.s32 $0x10, s19;
	s20 =	sadd.s32 $0x90, s20;
	s16 =	sadd.s32 $0x20, s16  }
0x94: {  	p0 =	sne.s32 s17, $0x7E00;
	v4 =	vmul.f32 v4, v2;
	s5 =	smov.u32 s17;
	s17 =	sadd.s32 $0x200, s17;
	v7 =	vmul.f32 v7, v2;
	[tilespmem:s11+$0x1CBD0] =	vst v10  }
0x95: {  	[tilespmem:s11+$0x1CB90] =	vst v6;
	v6 =	vmul.f32 v9, v2  }
0x96: {  	[tilespmem:s11+$0x1CBB0] =	vst v4  }
0x97: {  	[tilespmem:s11+$0x1CBC0] =	vst v6  }
0x98: {  	[tilespmem:s11+$0x1CB80] =	vst v5  }
0x99: {  	[tilespmem:s11+$0x1CBA0] =	vst v7  }
0x9a: {  	v2 =	vnsel vm0, $0x0, v2;
	[tilespmem:s11+$0x1CB70] =	vst v8  }
0x9b: {  	[tilespmem:s12+$0xFFFFFFF0] =	vst v3  }
0x9c: {  	[tilespmem:s12+$0x0] =	vst v2;
	s12 =	smov.u32 s16  }
0x9d: {  	v2 =	vld [tilespmem:s20+$0xFFFFFFE0]  }
0x9e: {  	v3 =	vld [tilespmem:s20+$0xFFFFFFD0]  }
0x9f: {  	s11 =	sshra.s32 s5, $0x2;
	v4 =	vld [tilespmem:s20+$0xFFFFFFC0]  }
0xa0: {  	v5 =	vld [tilespmem:s11+$0x1AB60]  }
0xa1: {  	v6 =	vld [tilespmem:s11+$0x1AB70]  }
0xa2: {  	v7 =	vld [tilespmem:s11+$0x1AB80]  }
0xa3: {  	v8 =	vld [tilespmem:s20+$0xFFFFFFF0]  }
0xa4: {  	v9 =	vld [tilespmem:s11+$0x1AB90]  }
0xa5: {  	v4 =	vmul.f32 v5, v4;
	v5 =	vld [tilespmem:s20+$0x0]  }
0xa6: {  	v3 =	vmul.f32 v6, v3;
	v6 =	vld [tilespmem:s11+$0x1ABA0]  }
0xa7: {  	v2 =	vmul.f32 v7, v2;
	v7 =	vld [tilespmem:s20+$0x10]  }
0xa8: {  	v3 =	vadd.f32 v3, v4;
	v4 =	vld [tilespmem:s11+$0x1ABB0]  }
0xa9: {  	v8 =	vmul.f32 v9, v8;
	v9 =	vld [tilespmem:s20+$0x20]  }
0xaa: {  	v2 =	vadd.f32 v2, v3;
	v3 =	vld [tilespmem:s11+$0x1ABC0]  }
0xab: {  	v5 =	vmul.f32 v6, v5;
	v6 =	vld [tilespmem:s20+$0x30]  }
0xac: {  	v2 =	vadd.f32 v8, v2;
	v8 =	vld [tilespmem:s11+$0x1ABD0]  }
0xad: {  	v4 =	vmul.f32 v4, v7;
	v7 =	vld [tilespmem:s20+$0x40]  }
0xae: {  	v2 =	vadd.f32 v5, v2;
	v5 =	vld [tilespmem:s19+$0x0]  }
0xaf: {  	v3 =	vmul.f32 v3, v9  }
0xb0: {  	v2 =	vadd.f32 v4, v2  }
0xb1: {  	v4 =	vmul.f32 v8, v6  }
0xb2: {  	v2 =	vadd.f32 v3, v2  }
0xb3: {  	v3 =	vmul.f32 v7, v5  }
0xb4: {  	v2 =	vadd.f32 v4, v2;
	_ =	sdelay $0x1  }
0xb5: {  	v2 =	vadd.f32 v3, v2;
	_ =	sdelay $0x1  }
0xb6: {  	(xrf2) =	vadd.scan.msk.f32 $0xffff, v2;
	_ =	sdelay $0x9  }
0xb7: {  	v2, _, _ =	vpop (xrf2)  }
0xb8: {  	v2 =	vmul.f32 $1.442695020e+00, v2;
	_ =	sdelay $0x1  }
0xb9: {  	v2 =	vbroadcast v2, $0xF;
	_ =	sdelay $0x1  }
0xba: {  	(erf) = vpow2.f32 v2;
	_ =	sdelay $0x1  }
0xbb: {  	v4 =	vld [tilespmem:s11+$0x1CBB0]  }
0xbc: {  	v6 =	vld [tilespmem:s11+$0x1CB90]  }
0xbd: {  	v10 =	vld [tilespmem:s11+$0x1CBD0]  }
0xbe: {  	v3 =	vld [tilespmem:s11+$0x1CB60]  }
0xbf: {  	v12 =	vld [tilespmem:s11+$0x1CB80]  }
.Ltmp5:
0xc0: {  	v8 =	vld [tilespmem:s11+$0x1CB70];
	(pc) =	sbr.rel @p0 .LBB2_4-.Ltmp5, $4  }
0xc1: {  	v7 =	vld [tilespmem:s11+$0x1CBA0]  }
0xc2: {  	v9 =	vld [tilespmem:s11+$0x1CBC0];
	v2 =	vpop (erf)  }
0xc3: {  	v11 =	vmul.f32 v2, v3;
	v3 =	vmul.f32 v2, v5  }
0xc4: {  	v10 =	vmul.f32 v10, v2;
	v5 =	vmul.f32 v2, v12  }
0xc5: {  	[tilespmem:s11+$0x1CB60] =	vst v11  }
0xc6: {  	v6 =	vmul.f32 v6, v2;
	[tilespmem:s11+$0x1CBD0] =	vst v10  }
0xc7: {  	v4 =	vmul.f32 v4, v2;
	[tilespmem:s11+$0x1CB80] =	vst v5  }
0xc8: {  	v63 =	vmul.f32 v2, v8;
	[tilespmem:s11+$0x1CB90] =	vst v6  }
0xc9: {  	v62 =	vmul.f32 v7, v2;
	[tilespmem:s11+$0x1CBB0] =	vst v4  }
0xca: {  	v61 =	vmul.f32 v9, v2;
	[tilespmem:s11+$0x1CB70] =	vst v63  }
0xcb: {  	[tilespmem:s11+$0x1CBA0] =	vst v62  }
0xcc: {  	[tilespmem:s11+$0x1CBC0] =	vst v61  }
0xcd: {  	v2 =	vnsel vm0, $0x0, v2;
	[tilespmem:s12+$0xFFFFFFF0] =	vst v3  }
0xce: {  	[tilespmem:s12+$0x0] =	vst v2  }
0xcf: {  	[spmem:s3] =	stream.indirect.scatter.add.f32 [tilespmem:s30], [sflag:$0x5], $0x80, s24, s25, $0xb8;
	[tilespmem:$0x1F760] =	vst v63  }
0xd0: {  	_ =	swait.ge [sflag:s23], $0x2000  }
0xd1: {  	[sflag:s23] =	ssyncset.done $0x0  }
.Ltmp6:
0xd2: {  	[sflag:s23] =	ssyncadd.s32 $0xFFFFE000;
	(pc) =	sbr.rel .LBB2_6-.Ltmp6, $4  }
0xd3: {  	[spmem:s4] =	stream.indirect.scatter.add.f32 [tilespmem:s15], [sflag:$0x4], $0x20, s24, s25, $0xb8;
	[tilespmem:$0x1F760] =	vst v63  }
0xd4: {  	_ =	swait.ge [sflag:s21], $0x800  }
0xd5: {  	[sflag:s21] =	ssyncset.done $0x0  }
0xd6: {  	[sflag:s21] =	ssyncadd.s32 $0xFFFFF800  }
.LBB2_7:
0xd7: {  	[bflag:$0x0] =	sbarrier.arrive $0xFFFF  }
0xd8: {  	s5 =	rddreg [dreg:$0xc]  }
0xd9: {  	s11 =	rddreg [dreg:$0x11]  }
0xda: {  	[hbm:s5], [sflag:s14] =	dma.local [spmem:s11], $0x2710  }
0xdb: {  	_ =	swait.ge [sflag:s21], $0x2710  }
0xdc: {  	[sflag:s21] =	ssyncset.done $0x0;
	s18 =	rddreg [dreg:$0xd]  }
0xdd: {  	s12 =	rddreg [dreg:$0x12];
	[sflag:s21] =	ssyncadd.s32 $0xFFFFD8F0  }
0xde: {  	[hbm:s18], [sflag:s14] =	dma.local [spmem:s12], $0x9C4  }
0xdf: {  	_ =	swait.ge [sflag:s21], $0x9C4  }
0xe0: {  	[sflag:s21] =	ssyncset.done $0x0  }
0xe1: {  	[sflag:s21] =	ssyncadd.s32 $0xFFFFF63C  }
0xe2: {  	[bflag:$0x0] =	sbarrier.arrive $0xFFFF  }
0xe3: {  	s19 =	rddreg [dreg:$0x8]  }
0xe4: {  	[spmem:s11], [sflag:s14] =	dma.local [hbm:s19], $0x2710  }
0xe5: {  	_ =	swait.ge [sflag:s21], $0x2710  }
0xe6: {  	[sflag:s21] =	ssyncset.done $0x0  }
0xe7: {  	s20 =	rddreg [dreg:$0x9];
	[sflag:s21] =	ssyncadd.s32 $0xFFFFD8F0  }
0xe8: {  	[spmem:s12], [sflag:s14] =	dma.local [hbm:s20], $0x9C4  }
.Ltmp7:
0xe9: {  	_ =	swait.ge [sflag:s21], $0x9C4;
	(pc) =	sbr.rel .LBB2_8-.Ltmp7, $4  }
0xea: {  	[sflag:s21] =	ssyncset.done $0x0  }
0xeb: {  	[sflag:s21] =	ssyncadd.s32 $0xFFFFF63C  }
0xec: {  	[bflag:$0x0] =	sbarrier.arrive $0xFFFF  }
0xed: {  	s18 =	simm.s32 $0x0  }
.LBB2_12:
0xee: {  	s18 =	sadd.s32 $0x1, s18  }
0xef: {  	p0 =	sne.s32 s18, $0x139  }
.Ltmp8:
0xf0: {  	_ = 	snop;
	(pc) =	sbr.rel @!p0 .LBB2_13-.Ltmp8, $1  }
0xf1: {  	_ =	sdelay $0x3  }
.LBB2_8:
0xf2: {  	s5 =	sshll.u32 s18, $0x4  }
0xf3: {  	s11 =	sor.u32 s8, s5  }
0xf4: {  	p0 =	sgt.u32 s11, $0x1387  }
.Ltmp9:
0xf5: {  	_ = 	snop;
	(pc) =	sbr.rel @p0 .LBB2_12-.Ltmp9, $1  }
0xf6: {  	_ =	sdelay $0x3  }
0xf7: {  	s5 =	sshll.u32 s11, $0x3  }
0xf8: {  	s16 =	simm.s32 $0x0;
	s12 =	sadd.s32 s9, s5  }
0xf9: {  	[tilespmem:s22], [sflag:$0x5] =	stream.linear.gather [hbm4b:s12+s16], $0x40, $0x38;
	[tilespmem:$0x1F760] =	vst v63  }
0xfa: {  	_ =	swait.ge [sflag:s23], $0x40  }
0xfb: {  	[sflag:s23] =	ssyncset.done $0x0  }
0xfc: {  	s5 =	sadd.s32 s2, s5;
	[sflag:s23] =	ssyncadd.s32 $0xFFFFFFC0  }
0xfd: {  	[tilespmem:s24], [sflag:$0x5] =	stream.linear.gather [hbm4b:s5+s16], $0x40, $0x38;
	[tilespmem:$0x1F760] =	vst v63  }
0xfe: {  	_ =	swait.ge [sflag:s23], $0x40  }
0xff: {  	[sflag:s23] =	ssyncset.done $0x0  }
0x100: {  	[sflag:s23] =	ssyncadd.s32 $0xFFFFFFC0  }
0x101: {  	v2 =	vld [tilespmem:$0x186A0]  }
0x102: {  	v3 =	vld [tilespmem:$0x186E0]  }
0x103: {  	v4 =	vld [tilespmem:$0x186B0]  }
0x104: {  	v5 =	vld [tilespmem:$0x186F0]  }
0x105: {  	v6 =	vld [tilespmem:$0x186C0]  }
0x106: {  	v7 =	vld [tilespmem:$0x18700];
	v2 =	vadd.s32 v1, v2  }
0x107: {  	[tilespmem:$0x186A0] =	vst v2;
	v2 =	vadd.s32 v1, v3;
	v3 =	vld [tilespmem:$0x186D0]  }
0x108: {  	[tilespmem:$0x18720] =	vst v2;
	v2 =	vadd.s32 v1, v4;
	v4 =	vld [tilespmem:$0x18710]  }
0x109: {  	[tilespmem:$0x186B0] =	vst v2;
	v2 =	vadd.s32 v1, v5  }
0x10a: {  	[tilespmem:$0x18730] =	vst v2;
	v2 =	vadd.s32 v1, v6  }
0x10b: {  	[tilespmem:$0x186C0] =	vst v2;
	v2 =	vadd.s32 v1, v7  }
0x10c: {  	[tilespmem:$0x18740] =	vst v2;
	v2 =	vadd.s32 v1, v3  }
0x10d: {  	[tilespmem:$0x186D0] =	vst v2;
	v2 =	vadd.s32 v1, v4  }
0x10e: {  	[tilespmem:$0x18750] =	vst v2  }
0x10f: {  	[tilespmem:s28], [sflag:$0x1] =	stream.indirect.gather [hbm4b:s6+s25], $0x90, s26, s25, $0xb8;
	[tilespmem:$0x1F760] =	vst v63  }
0x110: {  	_ = 	snop  }
0x111: {  	[tilespmem:s29], [sflag:$0x2] =	stream.indirect.gather [hbm4b:s1+s25], $0x80, s22, s25, $0xb8;
	[tilespmem:$0x1F760] =	vst v63  }
0x112: {  	s20 =	sshll.u32 s11, $0x7  }
0x113: {  	[tilespmem:s30], [sflag:$0x3] =	stream.indirect.gather [hbm4b:s7+s25], $0x80, s22, s25, $0xb8;
	[tilespmem:$0x1F760] =	vst v63  }
0x114: {  	s19 =	simm.s32 $0x1EB60;
	s5 =	sadd.s32 s10, s20  }
0x115: {  	[tilespmem:s19], [sflag:$0x5] =	stream.linear.gather [hbm4b:s5+s16], $0x400, $0x38;
	[tilespmem:$0x1F760] =	vst v63  }
0x116: {  	_ =	swait.ge [sflag:s23], $0x400  }
0x117: {  	[sflag:s23] =	ssyncset.done $0x0  }
0x118: {  	[sflag:s23] =	ssyncadd.s32 $0xFFFFFC00  }
0x119: {  	_ =	swait.ge [sflag:s31], $0x2400  }
0x11a: {  	[sflag:s31] =	ssyncset.done $0x0  }
0x11b: {  	[sflag:s31] =	ssyncadd.s32 $0xFFFFDC00  }
0x11c: {  	_ =	swait.ge [sflag:s0], $0x2000  }
0x11d: {  	[sflag:s0] =	ssyncset.done $0x0  }
0x11e: {  	[sflag:s0] =	ssyncadd.s32 $0xFFFFE000  }
0x11f: {  	_ =	swait.ge [sflag:s13], $0x2000  }
0x120: {  	[sflag:s13] =	ssyncset.done $0x0  }
0x121: {  	s20 =	simm.s32 $0x187A0;
	[sflag:s13] =	ssyncadd.s32 $0xFFFFE000  }
0x122: {  	v2 =	vld [tilespmem:s20+$0xFFFFFFD0]  }
0x123: {  	s11 =	simm.s32 $0x0;
	v3 =	vld [tilespmem:s20+$0xFFFFFFC0]  }
0x124: {  	v4 =	vld [tilespmem:s11+$0x1AB60]  }
0x125: {  	v5 =	vld [tilespmem:s11+$0x1AB70]  }
0x126: {  	v6 =	vld [tilespmem:s20+$0xFFFFFFE0]  }
0x127: {  	v7 =	vld [tilespmem:s11+$0x1AB80]  }
0x128: {  	v8 =	vld [tilespmem:s20+$0xFFFFFFF0]  }
0x129: {  	v9 =	vld [tilespmem:s11+$0x1AB90]  }
0x12a: {  	v3 =	vmul.f32 v4, v3;
	v4 =	vld [tilespmem:s20+$0x0];
	v2 =	vmul.f32 v5, v2  }
0x12b: {  	v5 =	vld [tilespmem:s11+$0x1ABA0]  }
0x12c: {  	v6 =	vmul.f32 v7, v6;
	v7 =	vld [tilespmem:s20+$0x10];
	v2 =	vadd.f32 v2, v3  }
0x12d: {  	v3 =	vld [tilespmem:s11+$0x1ABB0]  }
0x12e: {  	v8 =	vmul.f32 v9, v8;
	v9 =	vld [tilespmem:s20+$0x20];
	v2 =	vadd.f32 v6, v2  }
0x12f: {  	v6 =	vld [tilespmem:s11+$0x1ABC0]  }
0x130: {  	v4 =	vmul.f32 v5, v4;
	v5 =	vld [tilespmem:s20+$0x30];
	v2 =	vadd.f32 v8, v2  }
0x131: {  	v8 =	vld [tilespmem:s11+$0x1ABD0]  }
0x132: {  	v10 =	vld [tilespmem:s19+$0x0];
	v3 =	vmul.f32 v3, v7;
	v2 =	vadd.f32 v4, v2  }
0x133: {  	v7 =	vld [tilespmem:s20+$0x40]  }
0x134: {  	v4 =	vmul.f32 v6, v9;
	v2 =	vadd.f32 v3, v2;
	_ =	sdelay $0x1  }
0x135: {  	v3 =	vmul.f32 v8, v5;
	v2 =	vadd.f32 v4, v2;
	_ =	sdelay $0x1  }
0x136: {  	v4 =	vmul.f32 v7, v10;
	v2 =	vadd.f32 v3, v2;
	_ =	sdelay $0x1  }
0x137: {  	v2 =	vadd.f32 v4, v2;
	_ =	sdelay $0x1  }
0x138: {  	(xrf2) =	vadd.scan.msk.f32 $0xffff, v2;
	_ =	sdelay $0x9  }
0x139: {  	v2, _, _ =	vpop (xrf2)  }
0x13a: {  	v2 =	vmul.f32 $1.442695020e+00, v2;
	_ =	sdelay $0x1  }
0x13b: {  	v2 =	vbroadcast v2, $0xF;
	_ =	sdelay $0x1  }
0x13c: {  	(erf) = vpow2.f32 v2;
	_ =	sdelay $0x1  }
0x13d: {  	v12 =	vld [tilespmem:s11+$0x1CBD0]  }
0x13e: {  	v6 =	vld [tilespmem:s11+$0x1CB90]  }
0x13f: {  	v5 =	vld [tilespmem:s11+$0x1CB80]  }
0x140: {  	v3 =	vld [tilespmem:s11+$0x1CB60]  }
0x141: {  	v8 =	vld [tilespmem:s11+$0x1CB70]  }
0x142: {  	v7 =	vld [tilespmem:s11+$0x1CBA0]  }
0x143: {  	v4 =	vld [tilespmem:s11+$0x1CBB0]  }
0x144: {  	v9 =	vld [tilespmem:s11+$0x1CBC0];
	v2 =	vpop (erf)  }
0x145: {  	v11 =	vmul.f32 v2, v3;
	v3 =	vmul.f32 v2, v10  }
0x146: {  	s17 =	simm.s32 $0x200;
	s12 =	simm.s32 $0x1EF70;
	s16 =	simm.s32 $0x1EF70;
	v5 =	vmul.f32 v2, v5;
	v10 =	vmul.f32 v12, v2  }
.LBB2_10:
0x147: {  	[tilespmem:s11+$0x1CB60] =	vst v11;
	v8 =	vmul.f32 v2, v8;
	v6 =	vmul.f32 v6, v2;
	s19 =	sadd.s32 $0x10, s19;
	s20 =	sadd.s32 $0x90, s20;
	s16 =	sadd.s32 $0x20, s16  }
0x148: {  	p0 =	sne.s32 s17, $0x7E00;
	v4 =	vmul.f32 v4, v2;
	s5 =	smov.u32 s17;
	s17 =	sadd.s32 $0x200, s17;
	v7 =	vmul.f32 v7, v2;
	[tilespmem:s11+$0x1CBD0] =	vst v10  }
0x149: {  	[tilespmem:s11+$0x1CB90] =	vst v6;
	v6 =	vmul.f32 v9, v2  }
0x14a: {  	[tilespmem:s11+$0x1CBB0] =	vst v4  }
0x14b: {  	[tilespmem:s11+$0x1CBC0] =	vst v6  }
0x14c: {  	[tilespmem:s11+$0x1CB80] =	vst v5  }
0x14d: {  	[tilespmem:s11+$0x1CBA0] =	vst v7  }
0x14e: {  	v2 =	vnsel vm0, $0x0, v2;
	[tilespmem:s11+$0x1CB70] =	vst v8  }
0x14f: {  	[tilespmem:s12+$0xFFFFFFF0] =	vst v3  }
0x150: {  	[tilespmem:s12+$0x0] =	vst v2;
	s12 =	smov.u32 s16  }
0x151: {  	v2 =	vld [tilespmem:s20+$0xFFFFFFE0]  }
0x152: {  	v3 =	vld [tilespmem:s20+$0xFFFFFFD0]  }
0x153: {  	s11 =	sshra.s32 s5, $0x2;
	v4 =	vld [tilespmem:s20+$0xFFFFFFC0]  }
0x154: {  	v5 =	vld [tilespmem:s11+$0x1AB60]  }
0x155: {  	v6 =	vld [tilespmem:s11+$0x1AB70]  }
0x156: {  	v7 =	vld [tilespmem:s11+$0x1AB80]  }
0x157: {  	v8 =	vld [tilespmem:s20+$0xFFFFFFF0]  }
0x158: {  	v9 =	vld [tilespmem:s11+$0x1AB90]  }
0x159: {  	v4 =	vmul.f32 v5, v4;
	v5 =	vld [tilespmem:s20+$0x0]  }
0x15a: {  	v3 =	vmul.f32 v6, v3;
	v6 =	vld [tilespmem:s11+$0x1ABA0]  }
0x15b: {  	v2 =	vmul.f32 v7, v2;
	v7 =	vld [tilespmem:s20+$0x10]  }
0x15c: {  	v3 =	vadd.f32 v3, v4;
	v4 =	vld [tilespmem:s11+$0x1ABB0]  }
0x15d: {  	v8 =	vmul.f32 v9, v8;
	v9 =	vld [tilespmem:s20+$0x20]  }
0x15e: {  	v2 =	vadd.f32 v2, v3;
	v3 =	vld [tilespmem:s11+$0x1ABC0]  }
0x15f: {  	v5 =	vmul.f32 v6, v5;
	v6 =	vld [tilespmem:s20+$0x30]  }
0x160: {  	v2 =	vadd.f32 v8, v2;
	v8 =	vld [tilespmem:s11+$0x1ABD0]  }
0x161: {  	v4 =	vmul.f32 v4, v7;
	v7 =	vld [tilespmem:s20+$0x40]  }
0x162: {  	v2 =	vadd.f32 v5, v2;
	v5 =	vld [tilespmem:s19+$0x0]  }
0x163: {  	v3 =	vmul.f32 v3, v9  }
0x164: {  	v2 =	vadd.f32 v4, v2  }
0x165: {  	v4 =	vmul.f32 v8, v6  }
0x166: {  	v2 =	vadd.f32 v3, v2  }
0x167: {  	v3 =	vmul.f32 v7, v5  }
0x168: {  	v2 =	vadd.f32 v4, v2;
	_ =	sdelay $0x1  }
0x169: {  	v2 =	vadd.f32 v3, v2;
	_ =	sdelay $0x1  }
0x16a: {  	(xrf2) =	vadd.scan.msk.f32 $0xffff, v2;
	_ =	sdelay $0x9  }
0x16b: {  	v2, _, _ =	vpop (xrf2)  }
0x16c: {  	v2 =	vmul.f32 $1.442695020e+00, v2;
	_ =	sdelay $0x1  }
0x16d: {  	v2 =	vbroadcast v2, $0xF;
	_ =	sdelay $0x1  }
0x16e: {  	(erf) = vpow2.f32 v2;
	_ =	sdelay $0x1  }
0x16f: {  	v4 =	vld [tilespmem:s11+$0x1CBB0]  }
0x170: {  	v6 =	vld [tilespmem:s11+$0x1CB90]  }
0x171: {  	v10 =	vld [tilespmem:s11+$0x1CBD0]  }
0x172: {  	v3 =	vld [tilespmem:s11+$0x1CB60]  }
0x173: {  	v12 =	vld [tilespmem:s11+$0x1CB80]  }
.Ltmp10:
0x174: {  	v8 =	vld [tilespmem:s11+$0x1CB70];
	(pc) =	sbr.rel @p0 .LBB2_10-.Ltmp10, $4  }
0x175: {  	v7 =	vld [tilespmem:s11+$0x1CBA0]  }
0x176: {  	v9 =	vld [tilespmem:s11+$0x1CBC0];
	v2 =	vpop (erf)  }
0x177: {  	v11 =	vmul.f32 v2, v3;
	v3 =	vmul.f32 v2, v5  }
0x178: {  	v10 =	vmul.f32 v10, v2;
	v5 =	vmul.f32 v2, v12  }
0x179: {  	[tilespmem:s11+$0x1CB60] =	vst v11  }
0x17a: {  	v6 =	vmul.f32 v6, v2;
	[tilespmem:s11+$0x1CBD0] =	vst v10  }
0x17b: {  	v4 =	vmul.f32 v4, v2;
	[tilespmem:s11+$0x1CB80] =	vst v5  }
0x17c: {  	v63 =	vmul.f32 v2, v8;
	[tilespmem:s11+$0x1CB90] =	vst v6  }
0x17d: {  	v62 =	vmul.f32 v7, v2;
	[tilespmem:s11+$0x1CBB0] =	vst v4  }
0x17e: {  	v61 =	vmul.f32 v9, v2;
	[tilespmem:s11+$0x1CB70] =	vst v63  }
0x17f: {  	[tilespmem:s11+$0x1CBA0] =	vst v62  }
0x180: {  	[tilespmem:s11+$0x1CBC0] =	vst v61  }
0x181: {  	v2 =	vnsel vm0, $0x0, v2;
	[tilespmem:s12+$0xFFFFFFF0] =	vst v3  }
0x182: {  	[tilespmem:s12+$0x0] =	vst v2  }
0x183: {  	[spmem:s3] =	stream.indirect.scatter.add.f32 [tilespmem:s30], [sflag:$0x5], $0x80, s24, s25, $0xb8;
	[tilespmem:$0x1F760] =	vst v63  }
0x184: {  	_ =	swait.ge [sflag:s23], $0x2000  }
0x185: {  	[sflag:s23] =	ssyncset.done $0x0  }
.Ltmp11:
0x186: {  	[sflag:s23] =	ssyncadd.s32 $0xFFFFE000;
	(pc) =	sbr.rel .LBB2_12-.Ltmp11, $4  }
0x187: {  	[spmem:s4] =	stream.indirect.scatter.add.f32 [tilespmem:s15], [sflag:$0x4], $0x20, s24, s25, $0xb8;
	[tilespmem:$0x1F760] =	vst v63  }
0x188: {  	_ =	swait.ge [sflag:s21], $0x800  }
0x189: {  	[sflag:s21] =	ssyncset.done $0x0  }
0x18a: {  	[sflag:s21] =	ssyncadd.s32 $0xFFFFF800  }
.LBB2_14:
0x18b: {  	_ =	sfence.sel $0x180000  }
0x18c: {  	[bflag:$0x0] =	sbarrier.arrive $0xFFFF  }
0x18d: {  	_ =	strace $0x90000047  }
0x18e: {  	[bflag:$0x2] =	sbarrier.arrive $0xFFFF  }
0x18f: {  	p0 =	sne.s32 s8, $0x0;
	s0 =	rddreg [dreg:$0x6]  }
0x190: {  	s0 =	sadd.s32 @!p0 $0x100000, s0  }
0x191: {  	[sflag:s0] =	ssyncadd.tile.s32 @!p0 $0x1;
	_ =	shalt  }
.Lfunc_end2:
_tile_overlayer_lowered:
.L_overlay_start_2:
0x192: {  	(tag) =	ssettag $0x2  }
0x193: {  	s0 =	rddreg [dreg:$0x0];
	s2 =	stileid.u32  }
0x194: {  	s1 =	rddreg [dreg:$0x1];
	p0 =	sne.s32 s2, $0x0  }
0x195: {  	s3 =	rddreg [dreg:$0x2];
	[bflag:$0x3] =	sbarrier.arrive $0xFFFF;
	s2 =	simm.s32 @!p0 $0x1C04  }
0x196: {  	[timem:s3], [sflag:s2] =	dma.local @!p0 [hbm:s0], s1  }
0x197: {  	s0 =	simm.s32 @!p0 $0x4  }
0x198: {  	_ =	swait.ge @!p0 [sflag:s0], s1  }
0x199: {  	s1 =	ssub.s32 @!p0 $0x0, s1;
	[sflag:s0] =	ssyncset.done @!p0 $0x0  }
0x19a: {  	[sflag:s0] =	ssyncadd.s32 @!p0 s1  }
0x19b: {  	[bflag:$0x3] =	sbarrier.arrive $0xFFFF  }
0x19c: {  	_ =	shalt  }

</sc_bundles>
